<compile_context>
chip_gen: v7x
topology: tpu7x:2x2x1
jax: 0.10.2.dev20260603
libtpu: 0.0.44.dev20260713+nightly
codegen_flags: <defaults>
</compile_context>

<pallas_src>
import functools

import jax
import jax.numpy as jnp
from jax import lax
from jax.experimental import pallas as pl
from jax.experimental.pallas import tpu as pltpu
from jax.experimental.pallas import tpu_sc as plsc

NC = 2
NS = 16
NW = NC * NS

BATCH = 16384
D_GMF = 64
D_MLP = 256

B_PER_W = BATCH // NW
CHUNK = 128
N_CHUNKS = B_PER_W // CHUNK

TC_TILE = 2048
TR_TILE = 8192


def _sc_mesh():
    return plsc.VectorSubcoreMesh(
        core_axis_name="c", subcore_axis_name="s", num_cores=NC,
        num_subcores=NS)


def _sc_gather_all(users, items, Wum, Wim, Wgmf):
    out_type = (
        jax.ShapeDtypeStruct((BATCH, D_MLP), jnp.float32),
        jax.ShapeDtypeStruct((BATCH, D_MLP), jnp.float32),
        jax.ShapeDtypeStruct((BATCH, 2 * D_GMF), jnp.float32),
        jax.ShapeDtypeStruct((BATCH, 2 * D_GMF), jnp.float32),
    )
    scratch_types = [
        pltpu.VMEM((B_PER_W,), jnp.int32),
        pltpu.VMEM((B_PER_W,), jnp.int32),
        pltpu.VMEM((CHUNK, D_MLP), jnp.float32),
        pltpu.VMEM((CHUNK, D_MLP), jnp.float32),
        pltpu.VMEM((CHUNK, 2 * D_GMF), jnp.float32),
        pltpu.VMEM((CHUNK, 2 * D_GMF), jnp.float32),
        pltpu.SemaphoreType.DMA,
        pltpu.SemaphoreType.DMA,
        pltpu.SemaphoreType.DMA,
        pltpu.SemaphoreType.DMA,
    ]

    @functools.partial(pl.kernel, out_type=out_type, mesh=_sc_mesh(),
                       scratch_types=scratch_types)
    def k(u_hbm, i_hbm, wum_hbm, wim_hbm, wg_hbm,
          eum_hbm, eim_hbm, gu_hbm, gi_hbm,
          idx_u, idx_i, um_v, im_v, gu_v, gi_v, s0, s1, s2, s3):
        wid = lax.axis_index("s") * NC + lax.axis_index("c")
        base = wid * B_PER_W
        pltpu.sync_copy(u_hbm.at[pl.ds(base, B_PER_W)], idx_u)
        pltpu.sync_copy(i_hbm.at[pl.ds(base, B_PER_W)], idx_i)
        for c in range(N_CHUNKS):
            iu = idx_u.at[pl.ds(c * CHUNK, CHUNK)]
            ii = idx_i.at[pl.ds(c * CHUNK, CHUNK)]
            c0 = pltpu.async_copy(wum_hbm.at[iu], um_v, s0)
            c1 = pltpu.async_copy(wim_hbm.at[ii], im_v, s1)
            c2 = pltpu.async_copy(wg_hbm.at[iu], gu_v, s2)
            c3 = pltpu.async_copy(wg_hbm.at[ii], gi_v, s3)
            c0.wait()
            c1.wait()
            c2.wait()
            c3.wait()
            row = base + c * CHUNK
            w0 = pltpu.async_copy(um_v, eum_hbm.at[pl.ds(row, CHUNK)], s0)
            w1 = pltpu.async_copy(im_v, eim_hbm.at[pl.ds(row, CHUNK)], s1)
            w2 = pltpu.async_copy(gu_v, gu_hbm.at[pl.ds(row, CHUNK)], s2)
            w3 = pltpu.async_copy(gi_v, gi_hbm.at[pl.ds(row, CHUNK)], s3)
            w0.wait()
            w1.wait()
            w2.wait()
            w3.wait()

    return k(users, items, Wum, Wim, Wgmf)


def _trc_body(at_ref, bt_ref, o_ref):
    eye = jnp.eye(D_GMF, dtype=jnp.float32)
    dn = (((0,), (0,)), ((), ()))
    o_ref[:, :D_GMF] = lax.dot_general(at_ref[...], eye, dn,
                                       preferred_element_type=jnp.float32)
    o_ref[:, D_GMF:] = lax.dot_general(bt_ref[...], eye, dn,
                                       preferred_element_type=jnp.float32)


def _tc_transpose_concat(WugT, WigT):
    n = WugT.shape[1]
    grid = (pl.cdiv(n, TR_TILE),)
    return pl.pallas_call(
        _trc_body,
        grid=grid,
        compiler_params=pltpu.CompilerParams(
            fuse_transposed_lhs_in_matmul=True),
        in_specs=[
            pl.BlockSpec((D_GMF, TR_TILE), lambda i: (0, i)),
            pl.BlockSpec((D_GMF, TR_TILE), lambda i: (0, i)),
        ],
        out_specs=pl.BlockSpec((TR_TILE, 2 * D_GMF), lambda i: (i, 0)),
        out_shape=jax.ShapeDtypeStruct((n, 2 * D_GMF), jnp.float32),
    )(WugT, WigT)


def _tc_mlp_body(eum_ref, eim_ref, gu_ref, gi_ref,
                 w1a_ref, w1b_ref, b1_ref, w2_ref, b2_ref, w3_ref, b3_ref,
                 wpg_ref, wpx_ref, bp_ref, out_ref):
    f32, bf16 = jnp.float32, jnp.bfloat16
    h1 = (jnp.dot(eum_ref[...].astype(bf16), w1a_ref[...].astype(bf16),
                  preferred_element_type=f32)
          + jnp.dot(eim_ref[...].astype(bf16), w1b_ref[...].astype(bf16),
                    preferred_element_type=f32)
          + b1_ref[...])
    h1 = jnp.maximum(h1, 0.0).astype(bf16)
    h2 = jnp.maximum(
        jnp.dot(h1, w2_ref[...].astype(bf16), preferred_element_type=f32)
        + b2_ref[...], 0.0).astype(bf16)
    h3 = jnp.maximum(
        jnp.dot(h2, w3_ref[...].astype(bf16), preferred_element_type=f32)
        + b3_ref[...], 0.0).astype(bf16)
    g = (gu_ref[:, :D_GMF] * gi_ref[:, D_GMF:]).astype(bf16)
    p = (jnp.dot(g, wpg_ref[...].astype(bf16), preferred_element_type=f32)
         + jnp.dot(h3, wpx_ref[...].astype(bf16), preferred_element_type=f32)
         + bp_ref[...])
    out_ref[...] = jax.nn.sigmoid(p[:, 0])


def _tc_mlp(eum, eim, gu, gi, w1a, w1b, b1, w2, b2, w3, b3, wpg, wpx, bp):
    n = eum.shape[0]
    grid = (n // TC_TILE,)
    full = lambda i: (0, 0)
    return pl.pallas_call(
        _tc_mlp_body,
        grid=grid,
        in_specs=[
            pl.BlockSpec((TC_TILE, D_MLP), lambda i: (i, 0)),
            pl.BlockSpec((TC_TILE, D_MLP), lambda i: (i, 0)),
            pl.BlockSpec((TC_TILE, 2 * D_GMF), lambda i: (i, 0)),
            pl.BlockSpec((TC_TILE, 2 * D_GMF), lambda i: (i, 0)),
            pl.BlockSpec((D_MLP, D_MLP), full),
            pl.BlockSpec((D_MLP, D_MLP), full),
            pl.BlockSpec((1, D_MLP), full),
            pl.BlockSpec((D_MLP, D_MLP // 2), full),
            pl.BlockSpec((1, D_MLP // 2), full),
            pl.BlockSpec((D_MLP // 2, D_GMF), full),
            pl.BlockSpec((1, D_GMF), full),
            pl.BlockSpec((D_GMF, 1), full),
            pl.BlockSpec((D_GMF, 1), full),
            pl.BlockSpec((1, 1), full),
        ],
        out_specs=pl.BlockSpec((TC_TILE,), lambda i: (i,)),
        out_shape=jax.ShapeDtypeStruct((n,), jnp.float32),
    )(eum, eim, gu, gi, w1a, w1b, b1, w2, b2, w3, b3, wpg, wpx, bp)


def kernel(users, items, Wug, Wig, Wum, Wim, W1, b1, W2, b2, W3, b3, Wp, bp):
    wgmf = _tc_transpose_concat(Wug.T, Wig.T)
    eum, eim, gu, gi = _sc_gather_all(users, items, Wum, Wim, wgmf)
    w1a = W1[:D_MLP]
    w1b = W1[D_MLP:]
    wpg = Wp[:D_GMF]
    wpx = Wp[D_GMF:]
    out = _tc_mlp(eum, eim, gu, gi,
                  w1a, w1b, b1.reshape(1, -1),
                  W2, b2.reshape(1, -1), W3, b3.reshape(1, -1),
                  wpg, wpx, bp.reshape(1, 1))
    return out.reshape(-1, 1)

# --- scband reference (transcript-rebuilt; emitter-appended) ---
"""Pipeline reference for scband-neu-mf-84164179132779 (READ-ONLY COPY).

The authoritative reference and input builder live on the scoring server;
editing this copy changes nothing except your own understanding.
"""

import jax, jax.numpy as jnp
import numpy as np

NUM_USERS = 100000
NUM_ITEMS = 100000
EMB = 64
NLAYER = 3
BATCH = 16384


def setup_inputs(seed: int = 0) -> dict:
    key = jax.random.key(seed)
    ks = jax.random.split(key, 16)
    d_mlp = EMB * 2 ** (NLAYER - 1)  # 256
    users = jax.random.randint(ks[0], (BATCH,), 0, NUM_USERS, dtype=jnp.int32)
    items = jax.random.randint(ks[1], (BATCH,), 0, NUM_ITEMS, dtype=jnp.int32)
    Wug = 0.01 * jax.random.normal(ks[2], (NUM_USERS, EMB), dtype=jnp.float32)
    Wig = 0.01 * jax.random.normal(ks[3], (NUM_ITEMS, EMB), dtype=jnp.float32)
    Wum = 0.01 * jax.random.normal(ks[4], (NUM_USERS, d_mlp), dtype=jnp.float32)
    Wim = 0.01 * jax.random.normal(ks[5], (NUM_ITEMS, d_mlp), dtype=jnp.float32)
    # MLP layers: in sizes emb*2^(nlayer-i) for i=0..nlayer-1 -> 512->256, 256->128, 128->64
    def xavier(k, fan_in, fan_out):
        limit = np.sqrt(6.0 / (fan_in + fan_out))
        return jax.random.uniform(k, (fan_in, fan_out), dtype=jnp.float32, minval=-limit, maxval=limit)
    W1 = xavier(ks[6], 2 * d_mlp, d_mlp)
    b1 = jnp.zeros((d_mlp,), dtype=jnp.float32)
    W2 = xavier(ks[7], d_mlp, d_mlp // 2)
    b2 = jnp.zeros((d_mlp // 2,), dtype=jnp.float32)
    W3 = xavier(ks[8], d_mlp // 2, d_mlp // 4)
    b3 = jnp.zeros((d_mlp // 4,), dtype=jnp.float32)
    Wp = xavier(ks[9], 2 * EMB, 1)
    bp = jnp.zeros((1,), dtype=jnp.float32)
    return {"users": users, "items": items, "Wug": Wug, "Wig": Wig, "Wum": Wum, "Wim": Wim,
            "W1": W1, "b1": b1, "W2": W2, "b2": b2, "W3": W3, "b3": b3, "Wp": Wp, "bp": bp}


def reference(users, items, Wug, Wig, Wum, Wim, W1, b1, W2, b2, W3, b3, Wp, bp):
    # GMF branch: elementwise product of user/item GMF embeddings
    eug = jnp.take(Wug, users, axis=0)
    eig = jnp.take(Wig, items, axis=0)
    output_GMF = eug * eig
    # MLP branch (dropout is identity at inference)
    eum = jnp.take(Wum, users, axis=0)
    eim = jnp.take(Wim, items, axis=0)
    x = jnp.concatenate([eum, eim], axis=-1)
    x = jax.nn.relu(x @ W1 + b1)
    x = jax.nn.relu(x @ W2 + b2)
    x = jax.nn.relu(x @ W3 + b3)
    concat = jnp.concatenate([output_GMF, x], axis=-1)
    prediction = concat @ Wp + bp
    return jax.nn.sigmoid(prediction)

if __name__ == "__main__":
    import jax
    _d = setup_inputs()
    print(jax.jit(kernel)(*tuple(_d.values())))

</pallas_src>

<mosaic_0001>
#map = affine_map<(d0, d1) -> (0)>
#map1 = affine_map<(d0, d1) -> (0, 0)>
module attributes {stable_mosaic.version = 14 : i64} {
  func.func @k(%arg0: i32, %arg1: i32, %arg2: memref<16384xi32, #tpu.memory_space<hbm>>, %arg3: memref<16384xi32, #tpu.memory_space<hbm>>, %arg4: memref<100000x256xf32, #tpu.memory_space<hbm>>, %arg5: memref<100000x256xf32, #tpu.memory_space<hbm>>, %arg6: memref<100000x128xf32, #tpu.memory_space<hbm>>, %arg7: memref<16384x256xf32, #tpu.memory_space<hbm>>, %arg8: memref<16384x256xf32, #tpu.memory_space<hbm>>, %arg9: memref<16384x128xf32, #tpu.memory_space<hbm>>, %arg10: memref<16384x128xf32, #tpu.memory_space<hbm>>, %arg11: memref<512xi32, #tpu.memory_space<vmem>>, %arg12: memref<512xi32, #tpu.memory_space<vmem>>, %arg13: memref<128x256xf32, #tpu.memory_space<vmem>>, %arg14: memref<128x256xf32, #tpu.memory_space<vmem>>, %arg15: memref<128x128xf32, #tpu.memory_space<vmem>>, %arg16: memref<128x128xf32, #tpu.memory_space<vmem>>, %arg17: memref<!tpu.dma_semaphore, #tpu.memory_space<semaphore_mem>>, %arg18: memref<!tpu.dma_semaphore, #tpu.memory_space<semaphore_mem>>, %arg19: memref<!tpu.dma_semaphore, #tpu.memory_space<semaphore_mem>>, %arg20: memref<!tpu.dma_semaphore, #tpu.memory_space<semaphore_mem>>) attributes {dimension_semantics = [#tpu.dimension_semantics<core_parallel>, #tpu.dimension_semantics<subcore_parallel>], iteration_bounds = array<i64: 2, 16>, scalar_prefetch = 0 : i64, scratch_operands = 10 : i64, tpu.core_type = #tpu.core_type<sc_vector_subcore>, window_params = [{transform_indices = #map}, {transform_indices = #map}, {transform_indices = #map1}, {transform_indices = #map1}, {transform_indices = #map1}, {transform_indices = #map1}, {transform_indices = #map1}, {transform_indices = #map1}, {transform_indices = #map1}]} {
    %mul3A = arith.constant 2 : i32
    %mul3A_0 = arith.muli %arg1, %mul3A : i32
    %add3A = arith.addi %mul3A_0, %arg0 : i32
    %mul3A_1 = arith.constant 512 : i32
    %mul3A_2 = arith.muli %add3A, %mul3A_1 : i32
    "tpu.region"() ({
      %run_scoped3A = tpu.sem_alloc : memref<!tpu.dma_semaphore, #tpu.memory_space<semaphore_mem>>
      %dma_start3A_297 = tpu.memref_slice %arg2[%mul3A_2] : memref<16384xi32, #tpu.memory_space<hbm>> -> memref<512xi32, #tpu.memory_space<hbm>>
      %dma_start3A_298 = tpu.memref_slice %arg2[%mul3A_2] : memref<16384xi32, #tpu.memory_space<hbm>> -> memref<512xi32, #tpu.memory_space<hbm>>
      tpu.enqueue_dma source(%dma_start3A_298 : memref<512xi32, #tpu.memory_space<hbm>>) target(%arg11 : memref<512xi32, #tpu.memory_space<vmem>>) target_semaphore(%run_scoped3A : memref<!tpu.dma_semaphore, #tpu.memory_space<semaphore_mem>>)
      %dma_wait3A_299 = tpu.memref_slice %arg2[%mul3A_2] : memref<16384xi32, #tpu.memory_space<hbm>> -> memref<512xi32, #tpu.memory_space<hbm>>
      %dma_wait3A_300 = tpu.memref_slice %arg2[%mul3A_2] : memref<16384xi32, #tpu.memory_space<hbm>> -> memref<512xi32, #tpu.memory_space<hbm>>
      tpu.wait_dma2 semaphore(%run_scoped3A : memref<!tpu.dma_semaphore, #tpu.memory_space<semaphore_mem>>) src(%dma_wait3A_300 : memref<512xi32, #tpu.memory_space<hbm>>) dst(%arg11 : memref<512xi32, #tpu.memory_space<vmem>>)
      tpu.yield
    }) : () -> ()
    "tpu.region"() ({
      %run_scoped3A = tpu.sem_alloc : memref<!tpu.dma_semaphore, #tpu.memory_space<semaphore_mem>>
      %dma_start3A_297 = tpu.memref_slice %arg3[%mul3A_2] : memref<16384xi32, #tpu.memory_space<hbm>> -> memref<512xi32, #tpu.memory_space<hbm>>
      %dma_start3A_298 = tpu.memref_slice %arg3[%mul3A_2] : memref<16384xi32, #tpu.memory_space<hbm>> -> memref<512xi32, #tpu.memory_space<hbm>>
      tpu.enqueue_dma source(%dma_start3A_298 : memref<512xi32, #tpu.memory_space<hbm>>) target(%arg12 : memref<512xi32, #tpu.memory_space<vmem>>) target_semaphore(%run_scoped3A : memref<!tpu.dma_semaphore, #tpu.memory_space<semaphore_mem>>)
      %dma_wait3A_299 = tpu.memref_slice %arg3[%mul3A_2] : memref<16384xi32, #tpu.memory_space<hbm>> -> memref<512xi32, #tpu.memory_space<hbm>>
      %dma_wait3A_300 = tpu.memref_slice %arg3[%mul3A_2] : memref<16384xi32, #tpu.memory_space<hbm>> -> memref<512xi32, #tpu.memory_space<hbm>>
      tpu.wait_dma2 semaphore(%run_scoped3A : memref<!tpu.dma_semaphore, #tpu.memory_space<semaphore_mem>>) src(%dma_wait3A_300 : memref<512xi32, #tpu.memory_space<hbm>>) dst(%arg12 : memref<512xi32, #tpu.memory_space<vmem>>)
      tpu.yield
    }) : () -> ()
    %dma_start3A = arith.constant 0 : i32
    %dma_start3A_3 = tpu.memref_slice %arg11[%dma_start3A] : memref<512xi32, #tpu.memory_space<vmem>> -> memref<128xi32, #tpu.memory_space<vmem>>
    %dma_start3A_4 = arith.constant 0 : i32
    %dma_start3A_5 = arith.constant 0 : i32
    %dma_start3A_6 = tpu.memref_slice %arg4[%dma_start3A_4, %dma_start3A_5] : memref<100000x256xf32, #tpu.memory_space<hbm>> -> memref<100000x256xf32, #tpu.memory_space<hbm>>
    tpu.enqueue_indirect_dma source(%dma_start3A_6 : memref<100000x256xf32, #tpu.memory_space<hbm>>) target(%arg13 : memref<128x256xf32, #tpu.memory_space<vmem>>) offsets(%dma_start3A_3 : memref<128xi32, #tpu.memory_space<vmem>>) semaphore(%arg17 : memref<!tpu.dma_semaphore, #tpu.memory_space<semaphore_mem>>)
    %dma_start3A_7 = arith.constant 0 : i32
    %dma_start3A_8 = tpu.memref_slice %arg12[%dma_start3A_7] : memref<512xi32, #tpu.memory_space<vmem>> -> memref<128xi32, #tpu.memory_space<vmem>>
    %dma_start3A_9 = arith.constant 0 : i32
    %dma_start3A_10 = arith.constant 0 : i32
    %dma_start3A_11 = tpu.memref_slice %arg5[%dma_start3A_9, %dma_start3A_10] : memref<100000x256xf32, #tpu.memory_space<hbm>> -> memref<100000x256xf32, #tpu.memory_space<hbm>>
    tpu.enqueue_indirect_dma source(%dma_start3A_11 : memref<100000x256xf32, #tpu.memory_space<hbm>>) target(%arg14 : memref<128x256xf32, #tpu.memory_space<vmem>>) offsets(%dma_start3A_8 : memref<128xi32, #tpu.memory_space<vmem>>) semaphore(%arg18 : memref<!tpu.dma_semaphore, #tpu.memory_space<semaphore_mem>>)
    %dma_start3A_12 = arith.constant 0 : i32
    %dma_start3A_13 = tpu.memref_slice %arg11[%dma_start3A_12] : memref<512xi32, #tpu.memory_space<vmem>> -> memref<128xi32, #tpu.memory_space<vmem>>
    %dma_start3A_14 = arith.constant 0 : i32
    %dma_start3A_15 = arith.constant 0 : i32
    %dma_start3A_16 = tpu.memref_slice %arg6[%dma_start3A_14, %dma_start3A_15] : memref<100000x128xf32, #tpu.memory_space<hbm>> -> memref<100000x128xf32, #tpu.memory_space<hbm>>
    tpu.enqueue_indirect_dma source(%dma_start3A_16 : memref<100000x128xf32, #tpu.memory_space<hbm>>) target(%arg15 : memref<128x128xf32, #tpu.memory_space<vmem>>) offsets(%dma_start3A_13 : memref<128xi32, #tpu.memory_space<vmem>>) semaphore(%arg19 : memref<!tpu.dma_semaphore, #tpu.memory_space<semaphore_mem>>)
    %dma_start3A_17 = arith.constant 0 : i32
    %dma_start3A_18 = tpu.memref_slice %arg12[%dma_start3A_17] : memref<512xi32, #tpu.memory_space<vmem>> -> memref<128xi32, #tpu.memory_space<vmem>>
    %dma_start3A_19 = arith.constant 0 : i32
    %dma_start3A_20 = arith.constant 0 : i32
    %dma_start3A_21 = tpu.memref_slice %arg6[%dma_start3A_19, %dma_start3A_20] : memref<100000x128xf32, #tpu.memory_space<hbm>> -> memref<100000x128xf32, #tpu.memory_space<hbm>>
    tpu.enqueue_indirect_dma source(%dma_start3A_21 : memref<100000x128xf32, #tpu.memory_space<hbm>>) target(%arg16 : memref<128x128xf32, #tpu.memory_space<vmem>>) offsets(%dma_start3A_18 : memref<128xi32, #tpu.memory_space<vmem>>) semaphore(%arg20 : memref<!tpu.dma_semaphore, #tpu.memory_space<semaphore_mem>>)
    %dma_wait3A = arith.constant 0 : i32
    %dma_wait3A_22 = tpu.memref_slice %arg11[%dma_wait3A] : memref<512xi32, #tpu.memory_space<vmem>> -> memref<128xi32, #tpu.memory_space<vmem>>
    %dma_wait3A_23 = arith.constant 0 : i32
    %dma_wait3A_24 = arith.constant 0 : i32
    %dma_wait3A_25 = tpu.memref_slice %arg4[%dma_wait3A_23, %dma_wait3A_24] : memref<100000x256xf32, #tpu.memory_space<hbm>> -> memref<100000x256xf32, #tpu.memory_space<hbm>>
    tpu.wait_indirect_dma semaphore(%arg17 : memref<!tpu.dma_semaphore, #tpu.memory_space<semaphore_mem>>) src(%dma_wait3A_25 : memref<100000x256xf32, #tpu.memory_space<hbm>>) dst(%arg13 : memref<128x256xf32, #tpu.memory_space<vmem>>)
    %dma_wait3A_26 = arith.constant 0 : i32
    %dma_wait3A_27 = tpu.memref_slice %arg12[%dma_wait3A_26] : memref<512xi32, #tpu.memory_space<vmem>> -> memref<128xi32, #tpu.memory_space<vmem>>
    %dma_wait3A_28 = arith.constant 0 : i32
    %dma_wait3A_29 = arith.constant 0 : i32
    %dma_wait3A_30 = tpu.memref_slice %arg5[%dma_wait3A_28, %dma_wait3A_29] : memref<100000x256xf32, #tpu.memory_space<hbm>> -> memref<100000x256xf32, #tpu.memory_space<hbm>>
    tpu.wait_indirect_dma semaphore(%arg18 : memref<!tpu.dma_semaphore, #tpu.memory_space<semaphore_mem>>) src(%dma_wait3A_30 : memref<100000x256xf32, #tpu.memory_space<hbm>>) dst(%arg14 : memref<128x256xf32, #tpu.memory_space<vmem>>)
    %dma_wait3A_31 = arith.constant 0 : i32
    %dma_wait3A_32 = tpu.memref_slice %arg11[%dma_wait3A_31] : memref<512xi32, #tpu.memory_space<vmem>> -> memref<128xi32, #tpu.memory_space<vmem>>
    %dma_wait3A_33 = arith.constant 0 : i32
    %dma_wait3A_34 = arith.constant 0 : i32
    %dma_wait3A_35 = tpu.memref_slice %arg6[%dma_wait3A_33, %dma_wait3A_34] : memref<100000x128xf32, #tpu.memory_space<hbm>> -> memref<100000x128xf32, #tpu.memory_space<hbm>>
    tpu.wait_indirect_dma semaphore(%arg19 : memref<!tpu.dma_semaphore, #tpu.memory_space<semaphore_mem>>) src(%dma_wait3A_35 : memref<100000x128xf32, #tpu.memory_space<hbm>>) dst(%arg15 : memref<128x128xf32, #tpu.memory_space<vmem>>)
    %dma_wait3A_36 = arith.constant 0 : i32
    %dma_wait3A_37 = tpu.memref_slice %arg12[%dma_wait3A_36] : memref<512xi32, #tpu.memory_space<vmem>> -> memref<128xi32, #tpu.memory_space<vmem>>
    %dma_wait3A_38 = arith.constant 0 : i32
    %dma_wait3A_39 = arith.constant 0 : i32
    %dma_wait3A_40 = tpu.memref_slice %arg6[%dma_wait3A_38, %dma_wait3A_39] : memref<100000x128xf32, #tpu.memory_space<hbm>> -> memref<100000x128xf32, #tpu.memory_space<hbm>>
    tpu.wait_indirect_dma semaphore(%arg20 : memref<!tpu.dma_semaphore, #tpu.memory_space<semaphore_mem>>) src(%dma_wait3A_40 : memref<100000x128xf32, #tpu.memory_space<hbm>>) dst(%arg16 : memref<128x128xf32, #tpu.memory_space<vmem>>)
    %add3A_41 = arith.constant 0 : i32
    %add3A_42 = arith.addi %mul3A_2, %add3A_41 : i32
    %dma_start3A_43 = arith.constant 0 : i32
    %dma_start3A_44 = tpu.memref_slice %arg7[%add3A_42, %dma_start3A_43] : memref<16384x256xf32, #tpu.memory_space<hbm>> -> memref<128x256xf32, #tpu.memory_space<hbm>>
    %dma_start3A_45 = arith.constant 0 : i32
    %dma_start3A_46 = tpu.memref_slice %arg7[%add3A_42, %dma_start3A_45] : memref<16384x256xf32, #tpu.memory_space<hbm>> -> memref<128x256xf32, #tpu.memory_space<hbm>>
    tpu.enqueue_dma source(%arg13 : memref<128x256xf32, #tpu.memory_space<vmem>>) target(%dma_start3A_46 : memref<128x256xf32, #tpu.memory_space<hbm>>) target_semaphore(%arg17 : memref<!tpu.dma_semaphore, #tpu.memory_space<semaphore_mem>>)
    %dma_start3A_47 = arith.constant 0 : i32
    %dma_start3A_48 = tpu.memref_slice %arg8[%add3A_42, %dma_start3A_47] : memref<16384x256xf32, #tpu.memory_space<hbm>> -> memref<128x256xf32, #tpu.memory_space<hbm>>
    %dma_start3A_49 = arith.constant 0 : i32
    %dma_start3A_50 = tpu.memref_slice %arg8[%add3A_42, %dma_start3A_49] : memref<16384x256xf32, #tpu.memory_space<hbm>> -> memref<128x256xf32, #tpu.memory_space<hbm>>
    tpu.enqueue_dma source(%arg14 : memref<128x256xf32, #tpu.memory_space<vmem>>) target(%dma_start3A_50 : memref<128x256xf32, #tpu.memory_space<hbm>>) target_semaphore(%arg18 : memref<!tpu.dma_semaphore, #tpu.memory_space<semaphore_mem>>)
    %dma_start3A_51 = arith.constant 0 : i32
    %dma_start3A_52 = tpu.memref_slice %arg9[%add3A_42, %dma_start3A_51] : memref<16384x128xf32, #tpu.memory_space<hbm>> -> memref<128x128xf32, #tpu.memory_space<hbm>>
    %dma_start3A_53 = arith.constant 0 : i32
    %dma_start3A_54 = tpu.memref_slice %arg9[%add3A_42, %dma_start3A_53] : memref<16384x128xf32, #tpu.memory_space<hbm>> -> memref<128x128xf32, #tpu.memory_space<hbm>>
    tpu.enqueue_dma source(%arg15 : memref<128x128xf32, #tpu.memory_space<vmem>>) target(%dma_start3A_54 : memref<128x128xf32, #tpu.memory_space<hbm>>) target_semaphore(%arg19 : memref<!tpu.dma_semaphore, #tpu.memory_space<semaphore_mem>>)
    %dma_start3A_55 = arith.constant 0 : i32
    %dma_start3A_56 = tpu.memref_slice %arg10[%add3A_42, %dma_start3A_55] : memref<16384x128xf32, #tpu.memory_space<hbm>> -> memref<128x128xf32, #tpu.memory_space<hbm>>
    %dma_start3A_57 = arith.constant 0 : i32
    %dma_start3A_58 = tpu.memref_slice %arg10[%add3A_42, %dma_start3A_57] : memref<16384x128xf32, #tpu.memory_space<hbm>> -> memref<128x128xf32, #tpu.memory_space<hbm>>
    tpu.enqueue_dma source(%arg16 : memref<128x128xf32, #tpu.memory_space<vmem>>) target(%dma_start3A_58 : memref<128x128xf32, #tpu.memory_space<hbm>>) target_semaphore(%arg20 : memref<!tpu.dma_semaphore, #tpu.memory_space<semaphore_mem>>)
    %dma_wait3A_59 = arith.constant 0 : i32
    %dma_wait3A_60 = tpu.memref_slice %arg7[%add3A_42, %dma_wait3A_59] : memref<16384x256xf32, #tpu.memory_space<hbm>> -> memref<128x256xf32, #tpu.memory_space<hbm>>
    %dma_wait3A_61 = arith.constant 0 : i32
    %dma_wait3A_62 = tpu.memref_slice %arg7[%add3A_42, %dma_wait3A_61] : memref<16384x256xf32, #tpu.memory_space<hbm>> -> memref<128x256xf32, #tpu.memory_space<hbm>>
    tpu.wait_dma2 semaphore(%arg17 : memref<!tpu.dma_semaphore, #tpu.memory_space<semaphore_mem>>) src(%arg13 : memref<128x256xf32, #tpu.memory_space<vmem>>) dst(%dma_wait3A_62 : memref<128x256xf32, #tpu.memory_space<hbm>>)
    %dma_wait3A_63 = arith.constant 0 : i32
    %dma_wait3A_64 = tpu.memref_slice %arg8[%add3A_42, %dma_wait3A_63] : memref<16384x256xf32, #tpu.memory_space<hbm>> -> memref<128x256xf32, #tpu.memory_space<hbm>>
    %dma_wait3A_65 = arith.constant 0 : i32
    %dma_wait3A_66 = tpu.memref_slice %arg8[%add3A_42, %dma_wait3A_65] : memref<16384x256xf32, #tpu.memory_space<hbm>> -> memref<128x256xf32, #tpu.memory_space<hbm>>
    tpu.wait_dma2 semaphore(%arg18 : memref<!tpu.dma_semaphore, #tpu.memory_space<semaphore_mem>>) src(%arg14 : memref<128x256xf32, #tpu.memory_space<vmem>>) dst(%dma_wait3A_66 : memref<128x256xf32, #tpu.memory_space<hbm>>)
    %dma_wait3A_67 = arith.constant 0 : i32
    %dma_wait3A_68 = tpu.memref_slice %arg9[%add3A_42, %dma_wait3A_67] : memref<16384x128xf32, #tpu.memory_space<hbm>> -> memref<128x128xf32, #tpu.memory_space<hbm>>
    %dma_wait3A_69 = arith.constant 0 : i32
    %dma_wait3A_70 = tpu.memref_slice %arg9[%add3A_42, %dma_wait3A_69] : memref<16384x128xf32, #tpu.memory_space<hbm>> -> memref<128x128xf32, #tpu.memory_space<hbm>>
    tpu.wait_dma2 semaphore(%arg19 : memref<!tpu.dma_semaphore, #tpu.memory_space<semaphore_mem>>) src(%arg15 : memref<128x128xf32, #tpu.memory_space<vmem>>) dst(%dma_wait3A_70 : memref<128x128xf32, #tpu.memory_space<hbm>>)
    %dma_wait3A_71 = arith.constant 0 : i32
    %dma_wait3A_72 = tpu.memref_slice %arg10[%add3A_42, %dma_wait3A_71] : memref<16384x128xf32, #tpu.memory_space<hbm>> -> memref<128x128xf32, #tpu.memory_space<hbm>>
    %dma_wait3A_73 = arith.constant 0 : i32
    %dma_wait3A_74 = tpu.memref_slice %arg10[%add3A_42, %dma_wait3A_73] : memref<16384x128xf32, #tpu.memory_space<hbm>> -> memref<128x128xf32, #tpu.memory_space<hbm>>
    tpu.wait_dma2 semaphore(%arg20 : memref<!tpu.dma_semaphore, #tpu.memory_space<semaphore_mem>>) src(%arg16 : memref<128x128xf32, #tpu.memory_space<vmem>>) dst(%dma_wait3A_74 : memref<128x128xf32, #tpu.memory_space<hbm>>)
    %dma_start3A_75 = arith.constant 128 : i32
    %dma_start3A_76 = tpu.memref_slice %arg11[%dma_start3A_75] : memref<512xi32, #tpu.memory_space<vmem>> -> memref<128xi32, #tpu.memory_space<vmem>>
    %dma_start3A_77 = arith.constant 0 : i32
    %dma_start3A_78 = arith.constant 0 : i32
    %dma_start3A_79 = tpu.memref_slice %arg4[%dma_start3A_77, %dma_start3A_78] : memref<100000x256xf32, #tpu.memory_space<hbm>> -> memref<100000x256xf32, #tpu.memory_space<hbm>>
    tpu.enqueue_indirect_dma source(%dma_start3A_79 : memref<100000x256xf32, #tpu.memory_space<hbm>>) target(%arg13 : memref<128x256xf32, #tpu.memory_space<vmem>>) offsets(%dma_start3A_76 : memref<128xi32, #tpu.memory_space<vmem>>) semaphore(%arg17 : memref<!tpu.dma_semaphore, #tpu.memory_space<semaphore_mem>>)
    %dma_start3A_80 = arith.constant 128 : i32
    %dma_start3A_81 = tpu.memref_slice %arg12[%dma_start3A_80] : memref<512xi32, #tpu.memory_space<vmem>> -> memref<128xi32, #tpu.memory_space<vmem>>
    %dma_start3A_82 = arith.constant 0 : i32
    %dma_start3A_83 = arith.constant 0 : i32
    %dma_start3A_84 = tpu.memref_slice %arg5[%dma_start3A_82, %dma_start3A_83] : memref<100000x256xf32, #tpu.memory_space<hbm>> -> memref<100000x256xf32, #tpu.memory_space<hbm>>
    tpu.enqueue_indirect_dma source(%dma_start3A_84 : memref<100000x256xf32, #tpu.memory_space<hbm>>) target(%arg14 : memref<128x256xf32, #tpu.memory_space<vmem>>) offsets(%dma_start3A_81 : memref<128xi32, #tpu.memory_space<vmem>>) semaphore(%arg18 : memref<!tpu.dma_semaphore, #tpu.memory_space<semaphore_mem>>)
    %dma_start3A_85 = arith.constant 128 : i32
    %dma_start3A_86 = tpu.memref_slice %arg11[%dma_start3A_85] : memref<512xi32, #tpu.memory_space<vmem>> -> memref<128xi32, #tpu.memory_space<vmem>>
    %dma_start3A_87 = arith.constant 0 : i32
    %dma_start3A_88 = arith.constant 0 : i32
    %dma_start3A_89 = tpu.memref_slice %arg6[%dma_start3A_87, %dma_start3A_88] : memref<100000x128xf32, #tpu.memory_space<hbm>> -> memref<100000x128xf32, #tpu.memory_space<hbm>>
    tpu.enqueue_indirect_dma source(%dma_start3A_89 : memref<100000x128xf32, #tpu.memory_space<hbm>>) target(%arg15 : memref<128x128xf32, #tpu.memory_space<vmem>>) offsets(%dma_start3A_86 : memref<128xi32, #tpu.memory_space<vmem>>) semaphore(%arg19 : memref<!tpu.dma_semaphore, #tpu.memory_space<semaphore_mem>>)
    %dma_start3A_90 = arith.constant 128 : i32
    %dma_start3A_91 = tpu.memref_slice %arg12[%dma_start3A_90] : memref<512xi32, #tpu.memory_space<vmem>> -> memref<128xi32, #tpu.memory_space<vmem>>
    %dma_start3A_92 = arith.constant 0 : i32
    %dma_start3A_93 = arith.constant 0 : i32
    %dma_start3A_94 = tpu.memref_slice %arg6[%dma_start3A_92, %dma_start3A_93] : memref<100000x128xf32, #tpu.memory_space<hbm>> -> memref<100000x128xf32, #tpu.memory_space<hbm>>
    tpu.enqueue_indirect_dma source(%dma_start3A_94 : memref<100000x128xf32, #tpu.memory_space<hbm>>) target(%arg16 : memref<128x128xf32, #tpu.memory_space<vmem>>) offsets(%dma_start3A_91 : memref<128xi32, #tpu.memory_space<vmem>>) semaphore(%arg20 : memref<!tpu.dma_semaphore, #tpu.memory_space<semaphore_mem>>)
    %dma_wait3A_95 = arith.constant 128 : i32
    %dma_wait3A_96 = tpu.memref_slice %arg11[%dma_wait3A_95] : memref<512xi32, #tpu.memory_space<vmem>> -> memref<128xi32, #tpu.memory_space<vmem>>
    %dma_wait3A_97 = arith.constant 0 : i32
    %dma_wait3A_98 = arith.constant 0 : i32
    %dma_wait3A_99 = tpu.memref_slice %arg4[%dma_wait3A_97, %dma_wait3A_98] : memref<100000x256xf32, #tpu.memory_space<hbm>> -> memref<100000x256xf32, #tpu.memory_space<hbm>>
    tpu.wait_indirect_dma semaphore(%arg17 : memref<!tpu.dma_semaphore, #tpu.memory_space<semaphore_mem>>) src(%dma_wait3A_99 : memref<100000x256xf32, #tpu.memory_space<hbm>>) dst(%arg13 : memref<128x256xf32, #tpu.memory_space<vmem>>)
    %dma_wait3A_100 = arith.constant 128 : i32
    %dma_wait3A_101 = tpu.memref_slice %arg12[%dma_wait3A_100] : memref<512xi32, #tpu.memory_space<vmem>> -> memref<128xi32, #tpu.memory_space<vmem>>
    %dma_wait3A_102 = arith.constant 0 : i32
    %dma_wait3A_103 = arith.constant 0 : i32
    %dma_wait3A_104 = tpu.memref_slice %arg5[%dma_wait3A_102, %dma_wait3A_103] : memref<100000x256xf32, #tpu.memory_space<hbm>> -> memref<100000x256xf32, #tpu.memory_space<hbm>>
    tpu.wait_indirect_dma semaphore(%arg18 : memref<!tpu.dma_semaphore, #tpu.memory_space<semaphore_mem>>) src(%dma_wait3A_104 : memref<100000x256xf32, #tpu.memory_space<hbm>>) dst(%arg14 : memref<128x256xf32, #tpu.memory_space<vmem>>)
    %dma_wait3A_105 = arith.constant 128 : i32
    %dma_wait3A_106 = tpu.memref_slice %arg11[%dma_wait3A_105] : memref<512xi32, #tpu.memory_space<vmem>> -> memref<128xi32, #tpu.memory_space<vmem>>
    %dma_wait3A_107 = arith.constant 0 : i32
    %dma_wait3A_108 = arith.constant 0 : i32
    %dma_wait3A_109 = tpu.memref_slice %arg6[%dma_wait3A_107, %dma_wait3A_108] : memref<100000x128xf32, #tpu.memory_space<hbm>> -> memref<100000x128xf32, #tpu.memory_space<hbm>>
    tpu.wait_indirect_dma semaphore(%arg19 : memref<!tpu.dma_semaphore, #tpu.memory_space<semaphore_mem>>) src(%dma_wait3A_109 : memref<100000x128xf32, #tpu.memory_space<hbm>>) dst(%arg15 : memref<128x128xf32, #tpu.memory_space<vmem>>)
    %dma_wait3A_110 = arith.constant 128 : i32
    %dma_wait3A_111 = tpu.memref_slice %arg12[%dma_wait3A_110] : memref<512xi32, #tpu.memory_space<vmem>> -> memref<128xi32, #tpu.memory_space<vmem>>
    %dma_wait3A_112 = arith.constant 0 : i32
    %dma_wait3A_113 = arith.constant 0 : i32
    %dma_wait3A_114 = tpu.memref_slice %arg6[%dma_wait3A_112, %dma_wait3A_113] : memref<100000x128xf32, #tpu.memory_space<hbm>> -> memref<100000x128xf32, #tpu.memory_space<hbm>>
    tpu.wait_indirect_dma semaphore(%arg20 : memref<!tpu.dma_semaphore, #tpu.memory_space<semaphore_mem>>) src(%dma_wait3A_114 : memref<100000x128xf32, #tpu.memory_space<hbm>>) dst(%arg16 : memref<128x128xf32, #tpu.memory_space<vmem>>)
    %add3A_115 = arith.constant 128 : i32
    %add3A_116 = arith.addi %mul3A_2, %add3A_115 : i32
    %dma_start3A_117 = arith.constant 0 : i32
    %dma_start3A_118 = tpu.memref_slice %arg7[%add3A_116, %dma_start3A_117] : memref<16384x256xf32, #tpu.memory_space<hbm>> -> memref<128x256xf32, #tpu.memory_space<hbm>>
    %dma_start3A_119 = arith.constant 0 : i32
    %dma_start3A_120 = tpu.memref_slice %arg7[%add3A_116, %dma_start3A_119] : memref<16384x256xf32, #tpu.memory_space<hbm>> -> memref<128x256xf32, #tpu.memory_space<hbm>>
    tpu.enqueue_dma source(%arg13 : memref<128x256xf32, #tpu.memory_space<vmem>>) target(%dma_start3A_120 : memref<128x256xf32, #tpu.memory_space<hbm>>) target_semaphore(%arg17 : memref<!tpu.dma_semaphore, #tpu.memory_space<semaphore_mem>>)
    %dma_start3A_121 = arith.constant 0 : i32
    %dma_start3A_122 = tpu.memref_slice %arg8[%add3A_116, %dma_start3A_121] : memref<16384x256xf32, #tpu.memory_space<hbm>> -> memref<128x256xf32, #tpu.memory_space<hbm>>
    %dma_start3A_123 = arith.constant 0 : i32
    %dma_start3A_124 = tpu.memref_slice %arg8[%add3A_116, %dma_start3A_123] : memref<16384x256xf32, #tpu.memory_space<hbm>> -> memref<128x256xf32, #tpu.memory_space<hbm>>
    tpu.enqueue_dma source(%arg14 : memref<128x256xf32, #tpu.memory_space<vmem>>) target(%dma_start3A_124 : memref<128x256xf32, #tpu.memory_space<hbm>>) target_semaphore(%arg18 : memref<!tpu.dma_semaphore, #tpu.memory_space<semaphore_mem>>)
    %dma_start3A_125 = arith.constant 0 : i32
    %dma_start3A_126 = tpu.memref_slice %arg9[%add3A_116, %dma_start3A_125] : memref<16384x128xf32, #tpu.memory_space<hbm>> -> memref<128x128xf32, #tpu.memory_space<hbm>>
    %dma_start3A_127 = arith.constant 0 : i32
    %dma_start3A_128 = tpu.memref_slice %arg9[%add3A_116, %dma_start3A_127] : memref<16384x128xf32, #tpu.memory_space<hbm>> -> memref<128x128xf32, #tpu.memory_space<hbm>>
    tpu.enqueue_dma source(%arg15 : memref<128x128xf32, #tpu.memory_space<vmem>>) target(%dma_start3A_128 : memref<128x128xf32, #tpu.memory_space<hbm>>) target_semaphore(%arg19 : memref<!tpu.dma_semaphore, #tpu.memory_space<semaphore_mem>>)
    %dma_start3A_129 = arith.constant 0 : i32
    %dma_start3A_130 = tpu.memref_slice %arg10[%add3A_116, %dma_start3A_129] : memref<16384x128xf32, #tpu.memory_space<hbm>> -> memref<128x128xf32, #tpu.memory_space<hbm>>
    %dma_start3A_131 = arith.constant 0 : i32
    %dma_start3A_132 = tpu.memref_slice %arg10[%add3A_116, %dma_start3A_131] : memref<16384x128xf32, #tpu.memory_space<hbm>> -> memref<128x128xf32, #tpu.memory_space<hbm>>
    tpu.enqueue_dma source(%arg16 : memref<128x128xf32, #tpu.memory_space<vmem>>) target(%dma_start3A_132 : memref<128x128xf32, #tpu.memory_space<hbm>>) target_semaphore(%arg20 : memref<!tpu.dma_semaphore, #tpu.memory_space<semaphore_mem>>)
    %dma_wait3A_133 = arith.constant 0 : i32
    %dma_wait3A_134 = tpu.memref_slice %arg7[%add3A_116, %dma_wait3A_133] : memref<16384x256xf32, #tpu.memory_space<hbm>> -> memref<128x256xf32, #tpu.memory_space<hbm>>
    %dma_wait3A_135 = arith.constant 0 : i32
    %dma_wait3A_136 = tpu.memref_slice %arg7[%add3A_116, %dma_wait3A_135] : memref<16384x256xf32, #tpu.memory_space<hbm>> -> memref<128x256xf32, #tpu.memory_space<hbm>>
    tpu.wait_dma2 semaphore(%arg17 : memref<!tpu.dma_semaphore, #tpu.memory_space<semaphore_mem>>) src(%arg13 : memref<128x256xf32, #tpu.memory_space<vmem>>) dst(%dma_wait3A_136 : memref<128x256xf32, #tpu.memory_space<hbm>>)
    %dma_wait3A_137 = arith.constant 0 : i32
    %dma_wait3A_138 = tpu.memref_slice %arg8[%add3A_116, %dma_wait3A_137] : memref<16384x256xf32, #tpu.memory_space<hbm>> -> memref<128x256xf32, #tpu.memory_space<hbm>>
    %dma_wait3A_139 = arith.constant 0 : i32
    %dma_wait3A_140 = tpu.memref_slice %arg8[%add3A_116, %dma_wait3A_139] : memref<16384x256xf32, #tpu.memory_space<hbm>> -> memref<128x256xf32, #tpu.memory_space<hbm>>
    tpu.wait_dma2 semaphore(%arg18 : memref<!tpu.dma_semaphore, #tpu.memory_space<semaphore_mem>>) src(%arg14 : memref<128x256xf32, #tpu.memory_space<vmem>>) dst(%dma_wait3A_140 : memref<128x256xf32, #tpu.memory_space<hbm>>)
    %dma_wait3A_141 = arith.constant 0 : i32
    %dma_wait3A_142 = tpu.memref_slice %arg9[%add3A_116, %dma_wait3A_141] : memref<16384x128xf32, #tpu.memory_space<hbm>> -> memref<128x128xf32, #tpu.memory_space<hbm>>
    %dma_wait3A_143 = arith.constant 0 : i32
    %dma_wait3A_144 = tpu.memref_slice %arg9[%add3A_116, %dma_wait3A_143] : memref<16384x128xf32, #tpu.memory_space<hbm>> -> memref<128x128xf32, #tpu.memory_space<hbm>>
    tpu.wait_dma2 semaphore(%arg19 : memref<!tpu.dma_semaphore, #tpu.memory_space<semaphore_mem>>) src(%arg15 : memref<128x128xf32, #tpu.memory_space<vmem>>) dst(%dma_wait3A_144 : memref<128x128xf32, #tpu.memory_space<hbm>>)
    %dma_wait3A_145 = arith.constant 0 : i32
    %dma_wait3A_146 = tpu.memref_slice %arg10[%add3A_116, %dma_wait3A_145] : memref<16384x128xf32, #tpu.memory_space<hbm>> -> memref<128x128xf32, #tpu.memory_space<hbm>>
    %dma_wait3A_147 = arith.constant 0 : i32
    %dma_wait3A_148 = tpu.memref_slice %arg10[%add3A_116, %dma_wait3A_147] : memref<16384x128xf32, #tpu.memory_space<hbm>> -> memref<128x128xf32, #tpu.memory_space<hbm>>
    tpu.wait_dma2 semaphore(%arg20 : memref<!tpu.dma_semaphore, #tpu.memory_space<semaphore_mem>>) src(%arg16 : memref<128x128xf32, #tpu.memory_space<vmem>>) dst(%dma_wait3A_148 : memref<128x128xf32, #tpu.memory_space<hbm>>)
    %dma_start3A_149 = arith.constant 256 : i32
    %dma_start3A_150 = tpu.memref_slice %arg11[%dma_start3A_149] : memref<512xi32, #tpu.memory_space<vmem>> -> memref<128xi32, #tpu.memory_space<vmem>>
    %dma_start3A_151 = arith.constant 0 : i32
    %dma_start3A_152 = arith.constant 0 : i32
    %dma_start3A_153 = tpu.memref_slice %arg4[%dma_start3A_151, %dma_start3A_152] : memref<100000x256xf32, #tpu.memory_space<hbm>> -> memref<100000x256xf32, #tpu.memory_space<hbm>>
    tpu.enqueue_indirect_dma source(%dma_start3A_153 : memref<100000x256xf32, #tpu.memory_space<hbm>>) target(%arg13 : memref<128x256xf32, #tpu.memory_space<vmem>>) offsets(%dma_start3A_150 : memref<128xi32, #tpu.memory_space<vmem>>) semaphore(%arg17 : memref<!tpu.dma_semaphore, #tpu.memory_space<semaphore_mem>>)
    %dma_start3A_154 = arith.constant 256 : i32
    %dma_start3A_155 = tpu.memref_slice %arg12[%dma_start3A_154] : memref<512xi32, #tpu.memory_space<vmem>> -> memref<128xi32, #tpu.memory_space<vmem>>
    %dma_start3A_156 = arith.constant 0 : i32
    %dma_start3A_157 = arith.constant 0 : i32
    %dma_start3A_158 = tpu.memref_slice %arg5[%dma_start3A_156, %dma_start3A_157] : memref<100000x256xf32, #tpu.memory_space<hbm>> -> memref<100000x256xf32, #tpu.memory_space<hbm>>
    tpu.enqueue_indirect_dma source(%dma_start3A_158 : memref<100000x256xf32, #tpu.memory_space<hbm>>) target(%arg14 : memref<128x256xf32, #tpu.memory_space<vmem>>) offsets(%dma_start3A_155 : memref<128xi32, #tpu.memory_space<vmem>>) semaphore(%arg18 : memref<!tpu.dma_semaphore, #tpu.memory_space<semaphore_mem>>)
    %dma_start3A_159 = arith.constant 256 : i32
    %dma_start3A_160 = tpu.memref_slice %arg11[%dma_start3A_159] : memref<512xi32, #tpu.memory_space<vmem>> -> memref<128xi32, #tpu.memory_space<vmem>>
    %dma_start3A_161 = arith.constant 0 : i32
    %dma_start3A_162 = arith.constant 0 : i32
    %dma_start3A_163 = tpu.memref_slice %arg6[%dma_start3A_161, %dma_start3A_162] : memref<100000x128xf32, #tpu.memory_space<hbm>> -> memref<100000x128xf32, #tpu.memory_space<hbm>>
    tpu.enqueue_indirect_dma source(%dma_start3A_163 : memref<100000x128xf32, #tpu.memory_space<hbm>>) target(%arg15 : memref<128x128xf32, #tpu.memory_space<vmem>>) offsets(%dma_start3A_160 : memref<128xi32, #tpu.memory_space<vmem>>) semaphore(%arg19 : memref<!tpu.dma_semaphore, #tpu.memory_space<semaphore_mem>>)
    %dma_start3A_164 = arith.constant 256 : i32
    %dma_start3A_165 = tpu.memref_slice %arg12[%dma_start3A_164] : memref<512xi32, #tpu.memory_space<vmem>> -> memref<128xi32, #tpu.memory_space<vmem>>
    %dma_start3A_166 = arith.constant 0 : i32
    %dma_start3A_167 = arith.constant 0 : i32
    %dma_start3A_168 = tpu.memref_slice %arg6[%dma_start3A_166, %dma_start3A_167] : memref<100000x128xf32, #tpu.memory_space<hbm>> -> memref<100000x128xf32, #tpu.memory_space<hbm>>
    tpu.enqueue_indirect_dma source(%dma_start3A_168 : memref<100000x128xf32, #tpu.memory_space<hbm>>) target(%arg16 : memref<128x128xf32, #tpu.memory_space<vmem>>) offsets(%dma_start3A_165 : memref<128xi32, #tpu.memory_space<vmem>>) semaphore(%arg20 : memref<!tpu.dma_semaphore, #tpu.memory_space<semaphore_mem>>)
    %dma_wait3A_169 = arith.constant 256 : i32
    %dma_wait3A_170 = tpu.memref_slice %arg11[%dma_wait3A_169] : memref<512xi32, #tpu.memory_space<vmem>> -> memref<128xi32, #tpu.memory_space<vmem>>
    %dma_wait3A_171 = arith.constant 0 : i32
    %dma_wait3A_172 = arith.constant 0 : i32
    %dma_wait3A_173 = tpu.memref_slice %arg4[%dma_wait3A_171, %dma_wait3A_172] : memref<100000x256xf32, #tpu.memory_space<hbm>> -> memref<100000x256xf32, #tpu.memory_space<hbm>>
    tpu.wait_indirect_dma semaphore(%arg17 : memref<!tpu.dma_semaphore, #tpu.memory_space<semaphore_mem>>) src(%dma_wait3A_173 : memref<100000x256xf32, #tpu.memory_space<hbm>>) dst(%arg13 : memref<128x256xf32, #tpu.memory_space<vmem>>)
    %dma_wait3A_174 = arith.constant 256 : i32
    %dma_wait3A_175 = tpu.memref_slice %arg12[%dma_wait3A_174] : memref<512xi32, #tpu.memory_space<vmem>> -> memref<128xi32, #tpu.memory_space<vmem>>
    %dma_wait3A_176 = arith.constant 0 : i32
    %dma_wait3A_177 = arith.constant 0 : i32
    %dma_wait3A_178 = tpu.memref_slice %arg5[%dma_wait3A_176, %dma_wait3A_177] : memref<100000x256xf32, #tpu.memory_space<hbm>> -> memref<100000x256xf32, #tpu.memory_space<hbm>>
    tpu.wait_indirect_dma semaphore(%arg18 : memref<!tpu.dma_semaphore, #tpu.memory_space<semaphore_mem>>) src(%dma_wait3A_178 : memref<100000x256xf32, #tpu.memory_space<hbm>>) dst(%arg14 : memref<128x256xf32, #tpu.memory_space<vmem>>)
    %dma_wait3A_179 = arith.constant 256 : i32
    %dma_wait3A_180 = tpu.memref_slice %arg11[%dma_wait3A_179] : memref<512xi32, #tpu.memory_space<vmem>> -> memref<128xi32, #tpu.memory_space<vmem>>
    %dma_wait3A_181 = arith.constant 0 : i32
    %dma_wait3A_182 = arith.constant 0 : i32
    %dma_wait3A_183 = tpu.memref_slice %arg6[%dma_wait3A_181, %dma_wait3A_182] : memref<100000x128xf32, #tpu.memory_space<hbm>> -> memref<100000x128xf32, #tpu.memory_space<hbm>>
    tpu.wait_indirect_dma semaphore(%arg19 : memref<!tpu.dma_semaphore, #tpu.memory_space<semaphore_mem>>) src(%dma_wait3A_183 : memref<100000x128xf32, #tpu.memory_space<hbm>>) dst(%arg15 : memref<128x128xf32, #tpu.memory_space<vmem>>)
    %dma_wait3A_184 = arith.constant 256 : i32
    %dma_wait3A_185 = tpu.memref_slice %arg12[%dma_wait3A_184] : memref<512xi32, #tpu.memory_space<vmem>> -> memref<128xi32, #tpu.memory_space<vmem>>
    %dma_wait3A_186 = arith.constant 0 : i32
    %dma_wait3A_187 = arith.constant 0 : i32
    %dma_wait3A_188 = tpu.memref_slice %arg6[%dma_wait3A_186, %dma_wait3A_187] : memref<100000x128xf32, #tpu.memory_space<hbm>> -> memref<100000x128xf32, #tpu.memory_space<hbm>>
    tpu.wait_indirect_dma semaphore(%arg20 : memref<!tpu.dma_semaphore, #tpu.memory_space<semaphore_mem>>) src(%dma_wait3A_188 : memref<100000x128xf32, #tpu.memory_space<hbm>>) dst(%arg16 : memref<128x128xf32, #tpu.memory_space<vmem>>)
    %add3A_189 = arith.constant 256 : i32
    %add3A_190 = arith.addi %mul3A_2, %add3A_189 : i32
    %dma_start3A_191 = arith.constant 0 : i32
    %dma_start3A_192 = tpu.memref_slice %arg7[%add3A_190, %dma_start3A_191] : memref<16384x256xf32, #tpu.memory_space<hbm>> -> memref<128x256xf32, #tpu.memory_space<hbm>>
    %dma_start3A_193 = arith.constant 0 : i32
    %dma_start3A_194 = tpu.memref_slice %arg7[%add3A_190, %dma_start3A_193] : memref<16384x256xf32, #tpu.memory_space<hbm>> -> memref<128x256xf32, #tpu.memory_space<hbm>>
    tpu.enqueue_dma source(%arg13 : memref<128x256xf32, #tpu.memory_space<vmem>>) target(%dma_start3A_194 : memref<128x256xf32, #tpu.memory_space<hbm>>) target_semaphore(%arg17 : memref<!tpu.dma_semaphore, #tpu.memory_space<semaphore_mem>>)
    %dma_start3A_195 = arith.constant 0 : i32
    %dma_start3A_196 = tpu.memref_slice %arg8[%add3A_190, %dma_start3A_195] : memref<16384x256xf32, #tpu.memory_space<hbm>> -> memref<128x256xf32, #tpu.memory_space<hbm>>
    %dma_start3A_197 = arith.constant 0 : i32
    %dma_start3A_198 = tpu.memref_slice %arg8[%add3A_190, %dma_start3A_197] : memref<16384x256xf32, #tpu.memory_space<hbm>> -> memref<128x256xf32, #tpu.memory_space<hbm>>
    tpu.enqueue_dma source(%arg14 : memref<128x256xf32, #tpu.memory_space<vmem>>) target(%dma_start3A_198 : memref<128x256xf32, #tpu.memory_space<hbm>>) target_semaphore(%arg18 : memref<!tpu.dma_semaphore, #tpu.memory_space<semaphore_mem>>)
    %dma_start3A_199 = arith.constant 0 : i32
    %dma_start3A_200 = tpu.memref_slice %arg9[%add3A_190, %dma_start3A_199] : memref<16384x128xf32, #tpu.memory_space<hbm>> -> memref<128x128xf32, #tpu.memory_space<hbm>>
    %dma_start3A_201 = arith.constant 0 : i32
    %dma_start3A_202 = tpu.memref_slice %arg9[%add3A_190, %dma_start3A_201] : memref<16384x128xf32, #tpu.memory_space<hbm>> -> memref<128x128xf32, #tpu.memory_space<hbm>>
    tpu.enqueue_dma source(%arg15 : memref<128x128xf32, #tpu.memory_space<vmem>>) target(%dma_start3A_202 : memref<128x128xf32, #tpu.memory_space<hbm>>) target_semaphore(%arg19 : memref<!tpu.dma_semaphore, #tpu.memory_space<semaphore_mem>>)
    %dma_start3A_203 = arith.constant 0 : i32
    %dma_start3A_204 = tpu.memref_slice %arg10[%add3A_190, %dma_start3A_203] : memref<16384x128xf32, #tpu.memory_space<hbm>> -> memref<128x128xf32, #tpu.memory_space<hbm>>
    %dma_start3A_205 = arith.constant 0 : i32
    %dma_start3A_206 = tpu.memref_slice %arg10[%add3A_190, %dma_start3A_205] : memref<16384x128xf32, #tpu.memory_space<hbm>> -> memref<128x128xf32, #tpu.memory_space<hbm>>
    tpu.enqueue_dma source(%arg16 : memref<128x128xf32, #tpu.memory_space<vmem>>) target(%dma_start3A_206 : memref<128x128xf32, #tpu.memory_space<hbm>>) target_semaphore(%arg20 : memref<!tpu.dma_semaphore, #tpu.memory_space<semaphore_mem>>)
    %dma_wait3A_207 = arith.constant 0 : i32
    %dma_wait3A_208 = tpu.memref_slice %arg7[%add3A_190, %dma_wait3A_207] : memref<16384x256xf32, #tpu.memory_space<hbm>> -> memref<128x256xf32, #tpu.memory_space<hbm>>
    %dma_wait3A_209 = arith.constant 0 : i32
    %dma_wait3A_210 = tpu.memref_slice %arg7[%add3A_190, %dma_wait3A_209] : memref<16384x256xf32, #tpu.memory_space<hbm>> -> memref<128x256xf32, #tpu.memory_space<hbm>>
    tpu.wait_dma2 semaphore(%arg17 : memref<!tpu.dma_semaphore, #tpu.memory_space<semaphore_mem>>) src(%arg13 : memref<128x256xf32, #tpu.memory_space<vmem>>) dst(%dma_wait3A_210 : memref<128x256xf32, #tpu.memory_space<hbm>>)
    %dma_wait3A_211 = arith.constant 0 : i32
    %dma_wait3A_212 = tpu.memref_slice %arg8[%add3A_190, %dma_wait3A_211] : memref<16384x256xf32, #tpu.memory_space<hbm>> -> memref<128x256xf32, #tpu.memory_space<hbm>>
    %dma_wait3A_213 = arith.constant 0 : i32
    %dma_wait3A_214 = tpu.memref_slice %arg8[%add3A_190, %dma_wait3A_213] : memref<16384x256xf32, #tpu.memory_space<hbm>> -> memref<128x256xf32, #tpu.memory_space<hbm>>
    tpu.wait_dma2 semaphore(%arg18 : memref<!tpu.dma_semaphore, #tpu.memory_space<semaphore_mem>>) src(%arg14 : memref<128x256xf32, #tpu.memory_space<vmem>>) dst(%dma_wait3A_214 : memref<128x256xf32, #tpu.memory_space<hbm>>)
    %dma_wait3A_215 = arith.constant 0 : i32
    %dma_wait3A_216 = tpu.memref_slice %arg9[%add3A_190, %dma_wait3A_215] : memref<16384x128xf32, #tpu.memory_space<hbm>> -> memref<128x128xf32, #tpu.memory_space<hbm>>
    %dma_wait3A_217 = arith.constant 0 : i32
    %dma_wait3A_218 = tpu.memref_slice %arg9[%add3A_190, %dma_wait3A_217] : memref<16384x128xf32, #tpu.memory_space<hbm>> -> memref<128x128xf32, #tpu.memory_space<hbm>>
    tpu.wait_dma2 semaphore(%arg19 : memref<!tpu.dma_semaphore, #tpu.memory_space<semaphore_mem>>) src(%arg15 : memref<128x128xf32, #tpu.memory_space<vmem>>) dst(%dma_wait3A_218 : memref<128x128xf32, #tpu.memory_space<hbm>>)
    %dma_wait3A_219 = arith.constant 0 : i32
    %dma_wait3A_220 = tpu.memref_slice %arg10[%add3A_190, %dma_wait3A_219] : memref<16384x128xf32, #tpu.memory_space<hbm>> -> memref<128x128xf32, #tpu.memory_space<hbm>>
    %dma_wait3A_221 = arith.constant 0 : i32
    %dma_wait3A_222 = tpu.memref_slice %arg10[%add3A_190, %dma_wait3A_221] : memref<16384x128xf32, #tpu.memory_space<hbm>> -> memref<128x128xf32, #tpu.memory_space<hbm>>
    tpu.wait_dma2 semaphore(%arg20 : memref<!tpu.dma_semaphore, #tpu.memory_space<semaphore_mem>>) src(%arg16 : memref<128x128xf32, #tpu.memory_space<vmem>>) dst(%dma_wait3A_222 : memref<128x128xf32, #tpu.memory_space<hbm>>)
    %dma_start3A_223 = arith.constant 384 : i32
    %dma_start3A_224 = tpu.memref_slice %arg11[%dma_start3A_223] : memref<512xi32, #tpu.memory_space<vmem>> -> memref<128xi32, #tpu.memory_space<vmem>>
    %dma_start3A_225 = arith.constant 0 : i32
    %dma_start3A_226 = arith.constant 0 : i32
    %dma_start3A_227 = tpu.memref_slice %arg4[%dma_start3A_225, %dma_start3A_226] : memref<100000x256xf32, #tpu.memory_space<hbm>> -> memref<100000x256xf32, #tpu.memory_space<hbm>>
    tpu.enqueue_indirect_dma source(%dma_start3A_227 : memref<100000x256xf32, #tpu.memory_space<hbm>>) target(%arg13 : memref<128x256xf32, #tpu.memory_space<vmem>>) offsets(%dma_start3A_224 : memref<128xi32, #tpu.memory_space<vmem>>) semaphore(%arg17 : memref<!tpu.dma_semaphore, #tpu.memory_space<semaphore_mem>>)
    %dma_start3A_228 = arith.constant 384 : i32
    %dma_start3A_229 = tpu.memref_slice %arg12[%dma_start3A_228] : memref<512xi32, #tpu.memory_space<vmem>> -> memref<128xi32, #tpu.memory_space<vmem>>
    %dma_start3A_230 = arith.constant 0 : i32
    %dma_start3A_231 = arith.constant 0 : i32
    %dma_start3A_232 = tpu.memref_slice %arg5[%dma_start3A_230, %dma_start3A_231] : memref<100000x256xf32, #tpu.memory_space<hbm>> -> memref<100000x256xf32, #tpu.memory_space<hbm>>
    tpu.enqueue_indirect_dma source(%dma_start3A_232 : memref<100000x256xf32, #tpu.memory_space<hbm>>) target(%arg14 : memref<128x256xf32, #tpu.memory_space<vmem>>) offsets(%dma_start3A_229 : memref<128xi32, #tpu.memory_space<vmem>>) semaphore(%arg18 : memref<!tpu.dma_semaphore, #tpu.memory_space<semaphore_mem>>)
    %dma_start3A_233 = arith.constant 384 : i32
    %dma_start3A_234 = tpu.memref_slice %arg11[%dma_start3A_233] : memref<512xi32, #tpu.memory_space<vmem>> -> memref<128xi32, #tpu.memory_space<vmem>>
    %dma_start3A_235 = arith.constant 0 : i32
    %dma_start3A_236 = arith.constant 0 : i32
    %dma_start3A_237 = tpu.memref_slice %arg6[%dma_start3A_235, %dma_start3A_236] : memref<100000x128xf32, #tpu.memory_space<hbm>> -> memref<100000x128xf32, #tpu.memory_space<hbm>>
    tpu.enqueue_indirect_dma source(%dma_start3A_237 : memref<100000x128xf32, #tpu.memory_space<hbm>>) target(%arg15 : memref<128x128xf32, #tpu.memory_space<vmem>>) offsets(%dma_start3A_234 : memref<128xi32, #tpu.memory_space<vmem>>) semaphore(%arg19 : memref<!tpu.dma_semaphore, #tpu.memory_space<semaphore_mem>>)
    %dma_start3A_238 = arith.constant 384 : i32
    %dma_start3A_239 = tpu.memref_slice %arg12[%dma_start3A_238] : memref<512xi32, #tpu.memory_space<vmem>> -> memref<128xi32, #tpu.memory_space<vmem>>
    %dma_start3A_240 = arith.constant 0 : i32
    %dma_start3A_241 = arith.constant 0 : i32
    %dma_start3A_242 = tpu.memref_slice %arg6[%dma_start3A_240, %dma_start3A_241] : memref<100000x128xf32, #tpu.memory_space<hbm>> -> memref<100000x128xf32, #tpu.memory_space<hbm>>
    tpu.enqueue_indirect_dma source(%dma_start3A_242 : memref<100000x128xf32, #tpu.memory_space<hbm>>) target(%arg16 : memref<128x128xf32, #tpu.memory_space<vmem>>) offsets(%dma_start3A_239 : memref<128xi32, #tpu.memory_space<vmem>>) semaphore(%arg20 : memref<!tpu.dma_semaphore, #tpu.memory_space<semaphore_mem>>)
    %dma_wait3A_243 = arith.constant 384 : i32
    %dma_wait3A_244 = tpu.memref_slice %arg11[%dma_wait3A_243] : memref<512xi32, #tpu.memory_space<vmem>> -> memref<128xi32, #tpu.memory_space<vmem>>
    %dma_wait3A_245 = arith.constant 0 : i32
    %dma_wait3A_246 = arith.constant 0 : i32
    %dma_wait3A_247 = tpu.memref_slice %arg4[%dma_wait3A_245, %dma_wait3A_246] : memref<100000x256xf32, #tpu.memory_space<hbm>> -> memref<100000x256xf32, #tpu.memory_space<hbm>>
    tpu.wait_indirect_dma semaphore(%arg17 : memref<!tpu.dma_semaphore, #tpu.memory_space<semaphore_mem>>) src(%dma_wait3A_247 : memref<100000x256xf32, #tpu.memory_space<hbm>>) dst(%arg13 : memref<128x256xf32, #tpu.memory_space<vmem>>)
    %dma_wait3A_248 = arith.constant 384 : i32
    %dma_wait3A_249 = tpu.memref_slice %arg12[%dma_wait3A_248] : memref<512xi32, #tpu.memory_space<vmem>> -> memref<128xi32, #tpu.memory_space<vmem>>
    %dma_wait3A_250 = arith.constant 0 : i32
    %dma_wait3A_251 = arith.constant 0 : i32
    %dma_wait3A_252 = tpu.memref_slice %arg5[%dma_wait3A_250, %dma_wait3A_251] : memref<100000x256xf32, #tpu.memory_space<hbm>> -> memref<100000x256xf32, #tpu.memory_space<hbm>>
    tpu.wait_indirect_dma semaphore(%arg18 : memref<!tpu.dma_semaphore, #tpu.memory_space<semaphore_mem>>) src(%dma_wait3A_252 : memref<100000x256xf32, #tpu.memory_space<hbm>>) dst(%arg14 : memref<128x256xf32, #tpu.memory_space<vmem>>)
    %dma_wait3A_253 = arith.constant 384 : i32
    %dma_wait3A_254 = tpu.memref_slice %arg11[%dma_wait3A_253] : memref<512xi32, #tpu.memory_space<vmem>> -> memref<128xi32, #tpu.memory_space<vmem>>
    %dma_wait3A_255 = arith.constant 0 : i32
    %dma_wait3A_256 = arith.constant 0 : i32
    %dma_wait3A_257 = tpu.memref_slice %arg6[%dma_wait3A_255, %dma_wait3A_256] : memref<100000x128xf32, #tpu.memory_space<hbm>> -> memref<100000x128xf32, #tpu.memory_space<hbm>>
    tpu.wait_indirect_dma semaphore(%arg19 : memref<!tpu.dma_semaphore, #tpu.memory_space<semaphore_mem>>) src(%dma_wait3A_257 : memref<100000x128xf32, #tpu.memory_space<hbm>>) dst(%arg15 : memref<128x128xf32, #tpu.memory_space<vmem>>)
    %dma_wait3A_258 = arith.constant 384 : i32
    %dma_wait3A_259 = tpu.memref_slice %arg12[%dma_wait3A_258] : memref<512xi32, #tpu.memory_space<vmem>> -> memref<128xi32, #tpu.memory_space<vmem>>
    %dma_wait3A_260 = arith.constant 0 : i32
    %dma_wait3A_261 = arith.constant 0 : i32
    %dma_wait3A_262 = tpu.memref_slice %arg6[%dma_wait3A_260, %dma_wait3A_261] : memref<100000x128xf32, #tpu.memory_space<hbm>> -> memref<100000x128xf32, #tpu.memory_space<hbm>>
    tpu.wait_indirect_dma semaphore(%arg20 : memref<!tpu.dma_semaphore, #tpu.memory_space<semaphore_mem>>) src(%dma_wait3A_262 : memref<100000x128xf32, #tpu.memory_space<hbm>>) dst(%arg16 : memref<128x128xf32, #tpu.memory_space<vmem>>)
    %add3A_263 = arith.constant 384 : i32
    %add3A_264 = arith.addi %mul3A_2, %add3A_263 : i32
    %dma_start3A_265 = arith.constant 0 : i32
    %dma_start3A_266 = tpu.memref_slice %arg7[%add3A_264, %dma_start3A_265] : memref<16384x256xf32, #tpu.memory_space<hbm>> -> memref<128x256xf32, #tpu.memory_space<hbm>>
    %dma_start3A_267 = arith.constant 0 : i32
    %dma_start3A_268 = tpu.memref_slice %arg7[%add3A_264, %dma_start3A_267] : memref<16384x256xf32, #tpu.memory_space<hbm>> -> memref<128x256xf32, #tpu.memory_space<hbm>>
    tpu.enqueue_dma source(%arg13 : memref<128x256xf32, #tpu.memory_space<vmem>>) target(%dma_start3A_268 : memref<128x256xf32, #tpu.memory_space<hbm>>) target_semaphore(%arg17 : memref<!tpu.dma_semaphore, #tpu.memory_space<semaphore_mem>>)
    %dma_start3A_269 = arith.constant 0 : i32
    %dma_start3A_270 = tpu.memref_slice %arg8[%add3A_264, %dma_start3A_269] : memref<16384x256xf32, #tpu.memory_space<hbm>> -> memref<128x256xf32, #tpu.memory_space<hbm>>
    %dma_start3A_271 = arith.constant 0 : i32
    %dma_start3A_272 = tpu.memref_slice %arg8[%add3A_264, %dma_start3A_271] : memref<16384x256xf32, #tpu.memory_space<hbm>> -> memref<128x256xf32, #tpu.memory_space<hbm>>
    tpu.enqueue_dma source(%arg14 : memref<128x256xf32, #tpu.memory_space<vmem>>) target(%dma_start3A_272 : memref<128x256xf32, #tpu.memory_space<hbm>>) target_semaphore(%arg18 : memref<!tpu.dma_semaphore, #tpu.memory_space<semaphore_mem>>)
    %dma_start3A_273 = arith.constant 0 : i32
    %dma_start3A_274 = tpu.memref_slice %arg9[%add3A_264, %dma_start3A_273] : memref<16384x128xf32, #tpu.memory_space<hbm>> -> memref<128x128xf32, #tpu.memory_space<hbm>>
    %dma_start3A_275 = arith.constant 0 : i32
    %dma_start3A_276 = tpu.memref_slice %arg9[%add3A_264, %dma_start3A_275] : memref<16384x128xf32, #tpu.memory_space<hbm>> -> memref<128x128xf32, #tpu.memory_space<hbm>>
    tpu.enqueue_dma source(%arg15 : memref<128x128xf32, #tpu.memory_space<vmem>>) target(%dma_start3A_276 : memref<128x128xf32, #tpu.memory_space<hbm>>) target_semaphore(%arg19 : memref<!tpu.dma_semaphore, #tpu.memory_space<semaphore_mem>>)
    %dma_start3A_277 = arith.constant 0 : i32
    %dma_start3A_278 = tpu.memref_slice %arg10[%add3A_264, %dma_start3A_277] : memref<16384x128xf32, #tpu.memory_space<hbm>> -> memref<128x128xf32, #tpu.memory_space<hbm>>
    %dma_start3A_279 = arith.constant 0 : i32
    %dma_start3A_280 = tpu.memref_slice %arg10[%add3A_264, %dma_start3A_279] : memref<16384x128xf32, #tpu.memory_space<hbm>> -> memref<128x128xf32, #tpu.memory_space<hbm>>
    tpu.enqueue_dma source(%arg16 : memref<128x128xf32, #tpu.memory_space<vmem>>) target(%dma_start3A_280 : memref<128x128xf32, #tpu.memory_space<hbm>>) target_semaphore(%arg20 : memref<!tpu.dma_semaphore, #tpu.memory_space<semaphore_mem>>)
    %dma_wait3A_281 = arith.constant 0 : i32
    %dma_wait3A_282 = tpu.memref_slice %arg7[%add3A_264, %dma_wait3A_281] : memref<16384x256xf32, #tpu.memory_space<hbm>> -> memref<128x256xf32, #tpu.memory_space<hbm>>
    %dma_wait3A_283 = arith.constant 0 : i32
    %dma_wait3A_284 = tpu.memref_slice %arg7[%add3A_264, %dma_wait3A_283] : memref<16384x256xf32, #tpu.memory_space<hbm>> -> memref<128x256xf32, #tpu.memory_space<hbm>>
    tpu.wait_dma2 semaphore(%arg17 : memref<!tpu.dma_semaphore, #tpu.memory_space<semaphore_mem>>) src(%arg13 : memref<128x256xf32, #tpu.memory_space<vmem>>) dst(%dma_wait3A_284 : memref<128x256xf32, #tpu.memory_space<hbm>>)
    %dma_wait3A_285 = arith.constant 0 : i32
    %dma_wait3A_286 = tpu.memref_slice %arg8[%add3A_264, %dma_wait3A_285] : memref<16384x256xf32, #tpu.memory_space<hbm>> -> memref<128x256xf32, #tpu.memory_space<hbm>>
    %dma_wait3A_287 = arith.constant 0 : i32
    %dma_wait3A_288 = tpu.memref_slice %arg8[%add3A_264, %dma_wait3A_287] : memref<16384x256xf32, #tpu.memory_space<hbm>> -> memref<128x256xf32, #tpu.memory_space<hbm>>
    tpu.wait_dma2 semaphore(%arg18 : memref<!tpu.dma_semaphore, #tpu.memory_space<semaphore_mem>>) src(%arg14 : memref<128x256xf32, #tpu.memory_space<vmem>>) dst(%dma_wait3A_288 : memref<128x256xf32, #tpu.memory_space<hbm>>)
    %dma_wait3A_289 = arith.constant 0 : i32
    %dma_wait3A_290 = tpu.memref_slice %arg9[%add3A_264, %dma_wait3A_289] : memref<16384x128xf32, #tpu.memory_space<hbm>> -> memref<128x128xf32, #tpu.memory_space<hbm>>
    %dma_wait3A_291 = arith.constant 0 : i32
    %dma_wait3A_292 = tpu.memref_slice %arg9[%add3A_264, %dma_wait3A_291] : memref<16384x128xf32, #tpu.memory_space<hbm>> -> memref<128x128xf32, #tpu.memory_space<hbm>>
    tpu.wait_dma2 semaphore(%arg19 : memref<!tpu.dma_semaphore, #tpu.memory_space<semaphore_mem>>) src(%arg15 : memref<128x128xf32, #tpu.memory_space<vmem>>) dst(%dma_wait3A_292 : memref<128x128xf32, #tpu.memory_space<hbm>>)
    %dma_wait3A_293 = arith.constant 0 : i32
    %dma_wait3A_294 = tpu.memref_slice %arg10[%add3A_264, %dma_wait3A_293] : memref<16384x128xf32, #tpu.memory_space<hbm>> -> memref<128x128xf32, #tpu.memory_space<hbm>>
    %dma_wait3A_295 = arith.constant 0 : i32
    %dma_wait3A_296 = tpu.memref_slice %arg10[%add3A_264, %dma_wait3A_295] : memref<16384x128xf32, #tpu.memory_space<hbm>> -> memref<128x128xf32, #tpu.memory_space<hbm>>
    tpu.wait_dma2 semaphore(%arg20 : memref<!tpu.dma_semaphore, #tpu.memory_space<semaphore_mem>>) src(%arg16 : memref<128x128xf32, #tpu.memory_space<vmem>>) dst(%dma_wait3A_296 : memref<128x128xf32, #tpu.memory_space<hbm>>)
    return
  }
}

module attributes {stable_mosaic.version = 14 : i64} {
  func.func @_trc_body(%arg0: i32, %arg1: memref<64x8192xf32, #tpu.memory_space<vmem>>, %arg2: memref<64x8192xf32, #tpu.memory_space<vmem>>, %arg3: memref<8192x128xf32, #tpu.memory_space<vmem>>) attributes {dimension_semantics = [#tpu.dimension_semantics<arbitrary>], iteration_bounds = array<i64: 13>, scalar_prefetch = 0 : i64, scratch_operands = 0 : i64, tpu.core_type = #tpu.core_type<tc>, window_params = [{transform_indices = @transform_0, window_bounds = array<i64: 64, 8192>}, {transform_indices = @transform_1, window_bounds = array<i64: 64, 8192>}, {transform_indices = @transform_2, window_bounds = array<i64: 8192, 128>}]} {
    %iota3A = tpu.iota {dimensions = array<i32: 0>} : vector<64x64xi32>
    %iota3A_0 = tpu.iota {dimensions = array<i32: 1>} : vector<64x64xi32>
    %add3A = arith.constant 0 : i32
    %add3A_1 = vector.broadcast %add3A : i32 to vector<64x64xi32>
    %add3A_2 = arith.addi %iota3A, %add3A_1 : vector<64x64xi32>
    %eq3A = arith.cmpi eq, %add3A_2, %iota3A_0 : vector<64x64xi32>
    %convert_element_type3A = arith.extui %eq3A : vector<64x64xi1> to vector<64x64xi32>
    %convert_element_type3A_3 = arith.sitofp %convert_element_type3A : vector<64x64xi32> to vector<64x64xf32>
    %get3A = arith.constant 0 : index
    %get3A_4 = arith.constant 0 : index
    %get3A_5 = vector.load %arg1[%get3A, %get3A_4] : memref<64x8192xf32, #tpu.memory_space<vmem>>, vector<64x8192xf32>
    %dot_general3A = arith.constant dense<0.000000e+00> : vector<8192x64xf32>
    %dot_general3A_6 = tpu.matmul %get3A_5, %convert_element_type3A_3, %dot_general3A {dimension_numbers = #tpu.dot_dimension_numbers<[0], [0], [1], [1], [0, 1, 1, 1], [], []>, transpose_lhs_hint = true} : vector<64x8192xf32>, vector<64x64xf32>, vector<8192x64xf32> -> vector<8192x64xf32>
    %swap3A = arith.constant 0 : index
    %swap3A_7 = arith.constant 0 : index
    %swap3A_8 = vector.load %arg3[%swap3A, %swap3A_7] : memref<8192x128xf32, #tpu.memory_space<vmem>>, vector<8192x64xf32>
    tpu.vector_store %arg3[%swap3A, %swap3A_7], %dot_general3A_6 {strides = array<i32>} : memref<8192x128xf32, #tpu.memory_space<vmem>>, vector<8192x64xf32>,
    %get3A_9 = arith.constant 0 : index
    %get3A_10 = arith.constant 0 : index
    %get3A_11 = vector.load %arg2[%get3A_9, %get3A_10] : memref<64x8192xf32, #tpu.memory_space<vmem>>, vector<64x8192xf32>
    %dot_general3A_12 = arith.constant dense<0.000000e+00> : vector<8192x64xf32>
    %dot_general3A_13 = tpu.matmul %get3A_11, %convert_element_type3A_3, %dot_general3A_12 {dimension_numbers = #tpu.dot_dimension_numbers<[0], [0], [1], [1], [0, 1, 1, 1], [], []>, transpose_lhs_hint = true} : vector<64x8192xf32>, vector<64x64xf32>, vector<8192x64xf32> -> vector<8192x64xf32>
    %swap3A_14 = arith.constant 0 : index
    %swap3A_15 = arith.constant 64 : index
    %swap3A_16 = vector.load %arg3[%swap3A_14, %swap3A_15] : memref<8192x128xf32, #tpu.memory_space<vmem>>, vector<8192x64xf32>
    tpu.vector_store %arg3[%swap3A_14, %swap3A_15], %dot_general3A_13 {strides = array<i32>} : memref<8192x128xf32, #tpu.memory_space<vmem>>, vector<8192x64xf32>,
    return
  }
  func.func @transform_0(%arg0: i32) -> (i32, i32) {
    %c0_i32 = arith.constant 0 : i32
    %c0_i32_0 = arith.constant 0 : i32
    return %c0_i32, %arg0 : i32, i32
  }
  func.func @transform_1(%arg0: i32) -> (i32, i32) {
    %c0_i32 = arith.constant 0 : i32
    %c0_i32_0 = arith.constant 0 : i32
    return %c0_i32, %arg0 : i32, i32
  }
  func.func @transform_2(%arg0: i32) -> (i32, i32) {
    %c0_i32 = arith.constant 0 : i32
    %c0_i32_0 = arith.constant 0 : i32
    return %arg0, %c0_i32 : i32, i32
  }
}

module attributes {stable_mosaic.version = 14 : i64} {
  func.func @_tc_mlp_body(%arg0: i32, %arg1: memref<2048x256xf32, #tpu.memory_space<vmem>>, %arg2: memref<2048x256xf32, #tpu.memory_space<vmem>>, %arg3: memref<2048x128xf32, #tpu.memory_space<vmem>>, %arg4: memref<2048x128xf32, #tpu.memory_space<vmem>>, %arg5: memref<256x256xf32, #tpu.memory_space<vmem>>, %arg6: memref<256x256xf32, #tpu.memory_space<vmem>>, %arg7: memref<1x256xf32, #tpu.memory_space<vmem>>, %arg8: memref<256x128xf32, #tpu.memory_space<vmem>>, %arg9: memref<1x128xf32, #tpu.memory_space<vmem>>, %arg10: memref<128x64xf32, #tpu.memory_space<vmem>>, %arg11: memref<1x64xf32, #tpu.memory_space<vmem>>, %arg12: memref<64x1xf32, #tpu.memory_space<vmem>>, %arg13: memref<64x1xf32, #tpu.memory_space<vmem>>, %arg14: memref<1x1xf32, #tpu.memory_space<vmem>>, %arg15: memref<2048xf32, #tpu.memory_space<vmem>>) attributes {dimension_semantics = [#tpu.dimension_semantics<arbitrary>], iteration_bounds = array<i64: 8>, scalar_prefetch = 0 : i64, scratch_operands = 0 : i64, tpu.core_type = #tpu.core_type<tc>, window_params = [{transform_indices = @transform_0, window_bounds = array<i64: 2048, 256>}, {transform_indices = @transform_1, window_bounds = array<i64: 2048, 256>}, {transform_indices = @transform_2, window_bounds = array<i64: 2048, 128>}, {transform_indices = @transform_3, window_bounds = array<i64: 2048, 128>}, {pipeline_mode = #tpu.pipeline_mode<synchronous>, transform_indices = @transform_4, window_bounds = array<i64: 256, 256>}, {pipeline_mode = #tpu.pipeline_mode<synchronous>, transform_indices = @transform_5, window_bounds = array<i64: 256, 256>}, {pipeline_mode = #tpu.pipeline_mode<synchronous>, transform_indices = @transform_6, window_bounds = array<i64: 1, 256>}, {pipeline_mode = #tpu.pipeline_mode<synchronous>, transform_indices = @transform_7, window_bounds = array<i64: 256, 128>}, {pipeline_mode = #tpu.pipeline_mode<synchronous>, transform_indices = @transform_8, window_bounds = array<i64: 1, 128>}, {pipeline_mode = #tpu.pipeline_mode<synchronous>, transform_indices = @transform_9, window_bounds = array<i64: 128, 64>}, {pipeline_mode = #tpu.pipeline_mode<synchronous>, transform_indices = @transform_10, window_bounds = array<i64: 1, 64>}, {pipeline_mode = #tpu.pipeline_mode<synchronous>, transform_indices = @transform_11, window_bounds = array<i64: 64, 1>}, {pipeline_mode = #tpu.pipeline_mode<synchronous>, transform_indices = @transform_12, window_bounds = array<i64: 64, 1>}, {pipeline_mode = #tpu.pipeline_mode<synchronous>, transform_indices = @transform_13, window_bounds = array<i64: 1, 1>}, {transform_indices = @transform_14, window_bounds = array<i64: 2048>}]} {
    %get3A = arith.constant 0 : index
    %get3A_0 = arith.constant 0 : index
    %get3A_1 = vector.load %arg1[%get3A, %get3A_0] : memref<2048x256xf32, #tpu.memory_space<vmem>>, vector<2048x256xf32>
    %convert_element_type3A = arith.truncf %get3A_1 : vector<2048x256xf32> to vector<2048x256xbf16>
    %get3A_2 = arith.constant 0 : index
    %get3A_3 = arith.constant 0 : index
    %get3A_4 = vector.load %arg5[%get3A_2, %get3A_3] : memref<256x256xf32, #tpu.memory_space<vmem>>, vector<256x256xf32>
    %convert_element_type3A_5 = arith.truncf %get3A_4 : vector<256x256xf32> to vector<256x256xbf16>
    %dot_general3A = arith.constant dense<0.000000e+00> : vector<2048x256xf32>
    %dot_general3A_6 = tpu.matmul %convert_element_type3A, %convert_element_type3A_5, %dot_general3A {dimension_numbers = #tpu.dot_dimension_numbers<[1], [0], [0], [1], [0, 0, 1, 1], [], []>, transpose_lhs_hint = false} : vector<2048x256xbf16>, vector<256x256xbf16>, vector<2048x256xf32> -> vector<2048x256xf32>
    %get3A_7 = arith.constant 0 : index
    %get3A_8 = arith.constant 0 : index
    %get3A_9 = vector.load %arg2[%get3A_7, %get3A_8] : memref<2048x256xf32, #tpu.memory_space<vmem>>, vector<2048x256xf32>
    %convert_element_type3A_10 = arith.truncf %get3A_9 : vector<2048x256xf32> to vector<2048x256xbf16>
    %get3A_11 = arith.constant 0 : index
    %get3A_12 = arith.constant 0 : index
    %get3A_13 = vector.load %arg6[%get3A_11, %get3A_12] : memref<256x256xf32, #tpu.memory_space<vmem>>, vector<256x256xf32>
    %convert_element_type3A_14 = arith.truncf %get3A_13 : vector<256x256xf32> to vector<256x256xbf16>
    %dot_general3A_15 = arith.constant dense<0.000000e+00> : vector<2048x256xf32>
    %dot_general3A_16 = tpu.matmul %convert_element_type3A_10, %convert_element_type3A_14, %dot_general3A_15 {dimension_numbers = #tpu.dot_dimension_numbers<[1], [0], [0], [1], [0, 0, 1, 1], [], []>, transpose_lhs_hint = false} : vector<2048x256xbf16>, vector<256x256xbf16>, vector<2048x256xf32> -> vector<2048x256xf32>
    %add3A = arith.addf %dot_general3A_6, %dot_general3A_16 : vector<2048x256xf32>
    %get3A_17 = arith.constant 0 : index
    %get3A_18 = arith.constant 0 : index
    %get3A_19 = vector.load %arg7[%get3A_17, %get3A_18] : memref<1x256xf32, #tpu.memory_space<vmem>>, vector<1x256xf32>
    %add3A_20 = vector.broadcast %get3A_19 : vector<1x256xf32> to vector<2048x256xf32>
    %add3A_21 = arith.addf %add3A, %add3A_20 : vector<2048x256xf32>
    %max3A = arith.constant 0.000000e+00 : f32
    %max3A_22 = vector.broadcast %max3A : f32 to vector<2048x256xf32>
    %max3A_23 = arith.maximumf %add3A_21, %max3A_22 : vector<2048x256xf32>
    %convert_element_type3A_24 = arith.truncf %max3A_23 : vector<2048x256xf32> to vector<2048x256xbf16>
    %get3A_25 = arith.constant 0 : index
    %get3A_26 = arith.constant 0 : index
    %get3A_27 = vector.load %arg8[%get3A_25, %get3A_26] : memref<256x128xf32, #tpu.memory_space<vmem>>, vector<256x128xf32>
    %convert_element_type3A_28 = arith.truncf %get3A_27 : vector<256x128xf32> to vector<256x128xbf16>
    %dot_general3A_29 = arith.constant dense<0.000000e+00> : vector<2048x128xf32>
    %dot_general3A_30 = tpu.matmul %convert_element_type3A_24, %convert_element_type3A_28, %dot_general3A_29 {dimension_numbers = #tpu.dot_dimension_numbers<[1], [0], [0], [1], [0, 0, 1, 1], [], []>, transpose_lhs_hint = false} : vector<2048x256xbf16>, vector<256x128xbf16>, vector<2048x128xf32> -> vector<2048x128xf32>
    %get3A_31 = arith.constant 0 : index
    %get3A_32 = arith.constant 0 : index
    %get3A_33 = vector.load %arg9[%get3A_31, %get3A_32] : memref<1x128xf32, #tpu.memory_space<vmem>>, vector<1x128xf32>
    %add3A_34 = vector.broadcast %get3A_33 : vector<1x128xf32> to vector<2048x128xf32>
    %add3A_35 = arith.addf %dot_general3A_30, %add3A_34 : vector<2048x128xf32>
    %max3A_36 = arith.constant 0.000000e+00 : f32
    %max3A_37 = vector.broadcast %max3A_36 : f32 to vector<2048x128xf32>
    %max3A_38 = arith.maximumf %add3A_35, %max3A_37 : vector<2048x128xf32>
    %convert_element_type3A_39 = arith.truncf %max3A_38 : vector<2048x128xf32> to vector<2048x128xbf16>
    %get3A_40 = arith.constant 0 : index
    %get3A_41 = arith.constant 0 : index
    %get3A_42 = vector.load %arg10[%get3A_40, %get3A_41] : memref<128x64xf32, #tpu.memory_space<vmem>>, vector<128x64xf32>
    %convert_element_type3A_43 = arith.truncf %get3A_42 : vector<128x64xf32> to vector<128x64xbf16>
    %dot_general3A_44 = arith.constant dense<0.000000e+00> : vector<2048x64xf32>
    %dot_general3A_45 = tpu.matmul %convert_element_type3A_39, %convert_element_type3A_43, %dot_general3A_44 {dimension_numbers = #tpu.dot_dimension_numbers<[1], [0], [0], [1], [0, 0, 1, 1], [], []>, transpose_lhs_hint = false} : vector<2048x128xbf16>, vector<128x64xbf16>, vector<2048x64xf32> -> vector<2048x64xf32>
    %get3A_46 = arith.constant 0 : index
    %get3A_47 = arith.constant 0 : index
    %get3A_48 = vector.load %arg11[%get3A_46, %get3A_47] : memref<1x64xf32, #tpu.memory_space<vmem>>, vector<1x64xf32>
    %add3A_49 = vector.broadcast %get3A_48 : vector<1x64xf32> to vector<2048x64xf32>
    %add3A_50 = arith.addf %dot_general3A_45, %add3A_49 : vector<2048x64xf32>
    %max3A_51 = arith.constant 0.000000e+00 : f32
    %max3A_52 = vector.broadcast %max3A_51 : f32 to vector<2048x64xf32>
    %max3A_53 = arith.maximumf %add3A_50, %max3A_52 : vector<2048x64xf32>
    %convert_element_type3A_54 = arith.truncf %max3A_53 : vector<2048x64xf32> to vector<2048x64xbf16>
    %get3A_55 = arith.constant 0 : index
    %get3A_56 = arith.constant 0 : index
    %get3A_57 = vector.load %arg3[%get3A_55, %get3A_56] : memref<2048x128xf32, #tpu.memory_space<vmem>>, vector<2048x64xf32>
    %get3A_58 = arith.constant 0 : index
    %get3A_59 = arith.constant 64 : index
    %get3A_60 = vector.load %arg4[%get3A_58, %get3A_59] : memref<2048x128xf32, #tpu.memory_space<vmem>>, vector<2048x64xf32>
    %mul3A = arith.mulf %get3A_57, %get3A_60 : vector<2048x64xf32>
    %convert_element_type3A_61 = arith.truncf %mul3A : vector<2048x64xf32> to vector<2048x64xbf16>
    %get3A_62 = arith.constant 0 : index
    %get3A_63 = arith.constant 0 : index
    %get3A_64 = vector.load %arg12[%get3A_62, %get3A_63] : memref<64x1xf32, #tpu.memory_space<vmem>>, vector<64x1xf32>
    %convert_element_type3A_65 = arith.truncf %get3A_64 : vector<64x1xf32> to vector<64x1xbf16>
    %dot_general3A_66 = arith.constant dense<0.000000e+00> : vector<2048x1xf32>
    %dot_general3A_67 = tpu.matmul %convert_element_type3A_61, %convert_element_type3A_65, %dot_general3A_66 {dimension_numbers = #tpu.dot_dimension_numbers<[1], [0], [0], [1], [0, 0, 1, 1], [], []>, transpose_lhs_hint = false} : vector<2048x64xbf16>, vector<64x1xbf16>, vector<2048x1xf32> -> vector<2048x1xf32>
    %get3A_68 = arith.constant 0 : index
    %get3A_69 = arith.constant 0 : index
    %get3A_70 = vector.load %arg13[%get3A_68, %get3A_69] : memref<64x1xf32, #tpu.memory_space<vmem>>, vector<64x1xf32>
    %convert_element_type3A_71 = arith.truncf %get3A_70 : vector<64x1xf32> to vector<64x1xbf16>
    %dot_general3A_72 = arith.constant dense<0.000000e+00> : vector<2048x1xf32>
    %dot_general3A_73 = tpu.matmul %convert_element_type3A_54, %convert_element_type3A_71, %dot_general3A_72 {dimension_numbers = #tpu.dot_dimension_numbers<[1], [0], [0], [1], [0, 0, 1, 1], [], []>, transpose_lhs_hint = false} : vector<2048x64xbf16>, vector<64x1xbf16>, vector<2048x1xf32> -> vector<2048x1xf32>
    %add3A_74 = arith.addf %dot_general3A_67, %dot_general3A_73 : vector<2048x1xf32>
    %get3A_75 = arith.constant 0 : index
    %get3A_76 = arith.constant 0 : index
    %get3A_77 = vector.load %arg14[%get3A_75, %get3A_76] : memref<1x1xf32, #tpu.memory_space<vmem>>, vector<1x1xf32>
    %add3A_78 = vector.broadcast %get3A_77 : vector<1x1xf32> to vector<2048x1xf32>
    %add3A_79 = arith.addf %add3A_74, %add3A_78 : vector<2048x1xf32>
    %squeeze3A = vector.shape_cast %add3A_79 : vector<2048x1xf32> to vector<2048xf32>
    %logistic3A = arith.negf %squeeze3A : vector<2048xf32>
    %logistic3A_80 = math.exp %logistic3A : vector<2048xf32>
    %logistic3A_81 = arith.constant 1.000000e+00 : f32
    %logistic3A_82 = vector.broadcast %logistic3A_81 : f32 to vector<2048xf32>
    %logistic3A_83 = arith.addf %logistic3A_82, %logistic3A_80 : vector<2048xf32>
    %logistic3A_84 = arith.divf %logistic3A_82, %logistic3A_83 : vector<2048xf32>
    %swap3A = arith.constant 0 : index
    %swap3A_85 = vector.load %arg15[%swap3A] : memref<2048xf32, #tpu.memory_space<vmem>>, vector<2048xf32>
    tpu.vector_store %arg15[%swap3A], %logistic3A_84 {strides = array<i32>} : memref<2048xf32, #tpu.memory_space<vmem>>, vector<2048xf32>,
    return
  }
  func.func @transform_0(%arg0: i32) -> (i32, i32) {
    %c0_i32 = arith.constant 0 : i32
    %c0_i32_0 = arith.constant 0 : i32
    return %arg0, %c0_i32 : i32, i32
  }
  func.func @transform_1(%arg0: i32) -> (i32, i32) {
    %c0_i32 = arith.constant 0 : i32
    %c0_i32_0 = arith.constant 0 : i32
    return %arg0, %c0_i32 : i32, i32
  }
  func.func @transform_2(%arg0: i32) -> (i32, i32) {
    %c0_i32 = arith.constant 0 : i32
    %c0_i32_0 = arith.constant 0 : i32
    return %arg0, %c0_i32 : i32, i32
  }
  func.func @transform_3(%arg0: i32) -> (i32, i32) {
    %c0_i32 = arith.constant 0 : i32
    %c0_i32_0 = arith.constant 0 : i32
    return %arg0, %c0_i32 : i32, i32
  }
  func.func @transform_4(%arg0: i32) -> (i32, i32) {
    %c0_i32 = arith.constant 0 : i32
    %c0_i32_0 = arith.constant 0 : i32
    %c0_i32_1 = arith.constant 0 : i32
    return %c0_i32, %c0_i32_0 : i32, i32
  }
  func.func @transform_5(%arg0: i32) -> (i32, i32) {
    %c0_i32 = arith.constant 0 : i32
    %c0_i32_0 = arith.constant 0 : i32
    %c0_i32_1 = arith.constant 0 : i32
    return %c0_i32, %c0_i32_0 : i32, i32
  }
  func.func @transform_6(%arg0: i32) -> (i32, i32) {
    %c0_i32 = arith.constant 0 : i32
    %c0_i32_0 = arith.constant 0 : i32
    %c0_i32_1 = arith.constant 0 : i32
    return %c0_i32, %c0_i32_0 : i32, i32
  }
  func.func @transform_7(%arg0: i32) -> (i32, i32) {
    %c0_i32 = arith.constant 0 : i32
    %c0_i32_0 = arith.constant 0 : i32
    %c0_i32_1 = arith.constant 0 : i32
    return %c0_i32, %c0_i32_0 : i32, i32
  }
  func.func @transform_8(%arg0: i32) -> (i32, i32) {
    %c0_i32 = arith.constant 0 : i32
    %c0_i32_0 = arith.constant 0 : i32
    %c0_i32_1 = arith.constant 0 : i32
    return %c0_i32, %c0_i32_0 : i32, i32
  }
  func.func @transform_9(%arg0: i32) -> (i32, i32) {
    %c0_i32 = arith.constant 0 : i32
    %c0_i32_0 = arith.constant 0 : i32
    %c0_i32_1 = arith.constant 0 : i32
    return %c0_i32, %c0_i32_0 : i32, i32
  }
  func.func @transform_10(%arg0: i32) -> (i32, i32) {
    %c0_i32 = arith.constant 0 : i32
    %c0_i32_0 = arith.constant 0 : i32
    %c0_i32_1 = arith.constant 0 : i32
    return %c0_i32, %c0_i32_0 : i32, i32
  }
  func.func @transform_11(%arg0: i32) -> (i32, i32) {
    %c0_i32 = arith.constant 0 : i32
    %c0_i32_0 = arith.constant 0 : i32
    %c0_i32_1 = arith.constant 0 : i32
    return %c0_i32, %c0_i32_0 : i32, i32
  }
  func.func @transform_12(%arg0: i32) -> (i32, i32) {
    %c0_i32 = arith.constant 0 : i32
    %c0_i32_0 = arith.constant 0 : i32
    %c0_i32_1 = arith.constant 0 : i32
    return %c0_i32, %c0_i32_0 : i32, i32
  }
  func.func @transform_13(%arg0: i32) -> (i32, i32) {
    %c0_i32 = arith.constant 0 : i32
    %c0_i32_0 = arith.constant 0 : i32
    %c0_i32_1 = arith.constant 0 : i32
    return %c0_i32, %c0_i32_0 : i32, i32
  }
  func.func @transform_14(%arg0: i32) -> i32 {
    %c0_i32 = arith.constant 0 : i32
    return %arg0 : i32
  }
}

</mosaic_0001>

<sc_bundles>
// kernel: kernel.5.cloned.1.call-start
scs
__scs_entry_jumppad:
0x0: {  	(pc) =	sbr.rel $0x88, $3  }
0x1: {  	(tag) =	ssettag $0x0;
	lr =	simm.s32 $0x1  }
0x2: {  	[smem:$0x3F93] =	sst lr;
	_ =	strace $0xD0000000  }
0x3: {  	_ = 	snop  }
0x4: {  	_ = 	snop  }
0x5: {  	_ = 	snop  }
0x6: {  	_ = 	snop  }
0x7: {  	_ = 	snop  }
__scs_overlays_trampoline_lowered:
0x8: {  	[smem:$0x3FA2] =	sst s0  }
0x9: {  	[smem:$0x3FA3] =	sst s1  }
0xa: {  	[smem:$0x3FA4] =	sst s2  }
0xb: {  	[smem:$0x3FA5] =	sst s3  }
0xc: {  	[smem:$0x3FA6] =	sst s4  }
0xd: {  	[smem:$0x3FA7] =	sst s5  }
0xe: {  	[smem:$0x3FA8] =	sst s6  }
0xf: {  	[smem:$0x3FA9] =	sst s7  }
0x10: {  	[smem:$0x3FAA] =	sst s8  }
0x11: {  	[smem:$0x3FAB] =	sst s9;
	s0 =	simm.s32 @!p0 $0x0  }
0x12: {  	s1 =	sld [smem:$0x3F91];
	s0 =	simm.s32 @p0 $0x1  }
0x13: {  	[smem:$0x3FAC] =	sst s0;
	s0 =	simm.s32 @!p1 $0x0  }
0x14: {  	s2 =	sld [smem:$0x3F90];
	s0 =	simm.s32 @p1 $0x1  }
0x15: {  	[smem:$0x3FAD] =	sst s0;
	s0 =	simm.s32 @!p2 $0x0  }
0x16: {  	s3 =	sld [smem:$0x3FDB];
	s0 =	simm.s32 @p2 $0x1  }
0x17: {  	s4 =	simm.s32 $0x1BF5;
	[smem:$0x3FAF] =	sst s0  }
0x18: {  	s0 =	sld [smem:$0x3F92];
	_ =	swait.ge [sflag:s4], $0x0  }
0x19: {  	s7 =	sld [smem:$0x3F93]  }
0x1a: {  	s8 =	sadd.s32 $0xFFFFE003, lr  }
0x1b: {  	s9 =	sadd.s32 $0xFFFFFEF7, lr;
	s5 =	simm.s32 $0xFFFFFFFF;
	p2 =	slt.u32 s8, $0xFFFFF086  }
0x1c: {  	p1 =	slt.u32 s9, $0xF7A;
	s5 =	simm.s32 @!p2 $0x0  }
0x1d: {  	s5 =	simm.s32 @p1 $0x1;
	p0 =	seq.s32 s7, s2  }
0x1e: {  	s7 =	smul.u32 @!p0 $0xF7A, s2;
	p2 =	seq.s32 @!p0 s5, $0x0  }
0x1f: {  	s9 =	smul.u32 $0xF7A, s1;
	s8 =	simm.s32 @!p0 $0x1BF5;
	p2 =	por !p2, p0  }
0x20: {  	[sflag:s8] =	ssyncset.s32 @!p0 $0xFFFFF086;
	s6 =	sadd.s32 @!p0 s3, s7;
	s7 =	simm.s32 @!p0 $0x108  }
0x21: {  	s3 =	sadd.s32 s3, s9;
	s6 =	sadd.s32 @!p0 $0x88, s6;
	s7 =	simm.s32 @p2 $0x1082  }
0x22: {  	[simem:s7], [sflag:s8] =	dma.local @!p0 [hbm:s6], $0xF7A  }
0x23: {  	s9 =	sor.u32 $0xD0000000, s2;
	s6 =	simm.s32 $0x108;
	_ =	swait.ge @!p0 [sflag:s8], $0x0  }
0x24: {  	s3 =	sadd.s32 $0x88, s3;
	s6 =	simm.s32 @!p1 $0x1082;
	[sflag:s4] =	ssyncset.s32 $0xFFFFF086  }
0x25: {  	[simem:s6], [sflag:s4] =	dma.local [hbm:s3], $0xF7A  }
0x26: {  	[smem:$0x3F93] =	sst s1;
	(tag) =	ssettag s2;
	_ =	strace s9  }
0x27: {  	s1 =	sld [smem:$0x3FA3]  }
0x28: {  	s2 =	sld [smem:$0x3FA4]  }
0x29: {  	s4 =	sld [smem:$0x3FA6]  }
0x2a: {  	p0 =	seq.s32 s5, $0x0;
	s5 =	sld [smem:$0x3FA7]  }
0x2b: {  	s6 =	sld [smem:$0x3FA8]  }
0x2c: {  	s7 =	sld [smem:$0x3FA9]  }
0x2d: {  	s3 =	simm.s32 $0x108;
	s8 =	sld [smem:$0x3FAA]  }
0x2e: {  	s3 =	simm.s32 @!p0 $0x1082;
	s9 =	sld [smem:$0x3FAB]  }
0x2f: {  	lr =	sadd.s32 s0, s3;
	s0 =	sld [smem:$0x3FA2]  }
0x30: {  	s3 =	sld [smem:$0x3FA5]  }
0x31: {  	[smem:$0x3FAE] =	sst s10  }
0x32: {  	s10 =	sld [smem:$0x3FAC];
	_ =	sdelay $0x3  }
0x33: {  	p0 =	seq.s32 s10, $0x1;
	s10 =	sld [smem:$0x3FAE];
	_ =	sdelay $0x3  }
0x34: {  	[smem:$0x3FAE] =	sst s10  }
0x35: {  	s10 =	sld [smem:$0x3FAD];
	_ =	sdelay $0x3  }
0x36: {  	p1 =	seq.s32 s10, $0x1;
	s10 =	sld [smem:$0x3FAE];
	_ =	sdelay $0x3  }
0x37: {  	[smem:$0x3FAE] =	sst s10  }
0x38: {  	s10 =	sld [smem:$0x3FAF]  }
0x39: {  	_ = 	snop;
	(pc) =	sbr.ind lr, $3  }
0x3a: {  	_ = 	snop  }
0x3b: {  	_ = 	snop  }
0x3c: {  	p2 =	seq.s32 s10, $0x1;
	s10 =	sld [smem:$0x3FAE]  }
0x3d: {  	_ =	shalt  }
0x3e: {  	_ =	shalt  }
0x3f: {  	_ =	shalt  }
0x40: {  	_ =	shalt  }
0x41: {  	_ =	shalt  }
0x42: {  	_ =	shalt  }
0x43: {  	_ =	shalt  }
0x44: {  	_ =	shalt  }
0x45: {  	_ =	shalt  }
0x46: {  	_ =	shalt  }
0x47: {  	_ =	shalt  }
0x48: {  	_ =	shalt  }
0x49: {  	_ =	shalt  }
0x4a: {  	_ =	shalt  }
0x4b: {  	_ =	shalt  }
0x4c: {  	_ =	shalt  }
0x4d: {  	_ =	shalt  }
0x4e: {  	_ =	shalt  }
0x4f: {  	_ =	shalt  }
0x50: {  	_ =	shalt  }
0x51: {  	_ =	shalt  }
0x52: {  	_ =	shalt  }
0x53: {  	_ =	shalt  }
0x54: {  	_ =	shalt  }
0x55: {  	_ =	shalt  }
0x56: {  	_ =	shalt  }
0x57: {  	_ =	shalt  }
0x58: {  	_ =	shalt  }
0x59: {  	_ =	shalt  }
0x5a: {  	_ =	shalt  }
0x5b: {  	_ =	shalt  }
0x5c: {  	_ =	shalt  }
0x5d: {  	_ =	shalt  }
0x5e: {  	_ =	shalt  }
0x5f: {  	_ =	shalt  }
0x60: {  	_ =	shalt  }
0x61: {  	_ =	shalt  }
0x62: {  	_ =	shalt  }
0x63: {  	_ =	shalt  }
0x64: {  	_ =	shalt  }
0x65: {  	_ =	shalt  }
0x66: {  	_ =	shalt  }
0x67: {  	_ =	shalt  }
0x68: {  	_ =	shalt  }
0x69: {  	_ =	shalt  }
0x6a: {  	_ =	shalt  }
0x6b: {  	_ =	shalt  }
0x6c: {  	_ =	shalt  }
0x6d: {  	_ =	shalt  }
0x6e: {  	_ =	shalt  }
0x6f: {  	_ =	shalt  }
0x70: {  	_ =	shalt  }
0x71: {  	_ =	shalt  }
0x72: {  	_ =	shalt  }
0x73: {  	_ =	shalt  }
0x74: {  	_ =	shalt  }
0x75: {  	_ =	shalt  }
0x76: {  	_ =	shalt  }
0x77: {  	_ =	shalt  }
0x78: {  	_ =	shalt  }
0x79: {  	_ =	shalt  }
0x7a: {  	_ =	shalt  }
0x7b: {  	_ =	shalt  }
0x7c: {  	_ =	shalt  }
0x7d: {  	_ =	shalt  }
0x7e: {  	_ =	shalt  }
0x7f: {  	_ =	shalt  }
0x80: {  	_ =	shalt  }
0x81: {  	_ =	shalt  }
0x82: {  	_ =	shalt  }
0x83: {  	_ =	shalt  }
0x84: {  	_ =	shalt  }
0x85: {  	_ =	shalt  }
0x86: {  	_ =	shalt  }
0x87: {  	_ =	shalt  }
.Lfunc_end0:
.L_simem_size_0:
called_computation_lowered:
.L_overlay_start_0:
0x88: {  	s2 =	sld [smem:$0x3FD9]  }
0x89: {  	s3 =	sld [smem:$0x3FFE];
	_ =	sdelay $0x1  }
0x8a: {  	s1 =	srdreg.scid  }
0x8b: {  	s0 =	sand.u32 $0x1, s1  }
0x8c: {  	s17 =	sshll.u32 s0, $0xA;
	s2 =	sadd.s32 s3, s2  }
0x8d: {  	s2 =	sadd.s32 s2, s17  }
0x8e: {  	[smem:$0x3FBA] =	sst s2  }
0x8f: {  	_ = 	snop  }
0x90: {  	s2 =	sld [smem:$0x3FC9]  }
0x91: {  	s18 =	sld [smem:$0x3FC8]  }
0x92: {  	s4 =	sld [smem:$0x3FC5]  }
0x93: {  	s5 =	sld [smem:$0x3FC4];
	(tm) =	ssettm $0x1  }
0x94: {  	s6 =	sld [smem:$0x3FFB];
	_ =	sdelay $0x3  }
0x95: {  	_ =	strace s6  }
0x96: {  	s6 =	sld [smem:$0x3FFC];
	_ =	sdelay $0x3  }
0x97: {  	_ =	strace s6  }
0x98: {  	s6 =	sld [smem:$0x3FFD];
	_ =	sdelay $0x3  }
0x99: {  	_ =	strace s6  }
0x9a: {  	_ =	strace $0x8FFFFFFF  }
0x9b: {  	s19 =	sld [smem:$0x3FDB];
	_ =	sdelay $0x1  }
0x9c: {  	s7 =	simm.s32 $_scs_section_size  }
0x9d: {  	s8 =	simm.s32 $_size__tile_overlayer_lowered;
	s9 =	simm.s32 $_tile_overlayer_lowered  }
0x9e: {  	s22 =	simm.s32 $0x1BFF;
	s21 =	sshll.u32 s9, $0x1;
	s6 =	sadd.s32 s7, s19  }
0x9f: {  	s10 =	simm.s32 $0x0;
	s20 =	sshll.u32 s8, $0x1;
	s8 =	sadd.s32 s21, s6  }
0xa0: {  	[timem:s10], [sflag:s22] =	dma.local [hbm:s8], s20  }
0xa1: {  	_ =	swait.ge [sflag:s22], s20  }
0xa2: {  	s7 =	ssub.s32 $0x0, s20;
	[sflag:s22] =	ssyncset.done $0x0  }
0xa3: {  	[sflag:s22] =	ssyncadd.s32 s7;
	_ =	sdelay $0x1  }
0xa4: {  	s23 =	simm.s32 $0x1B8B  }
0xa5: {  	_ =	swait.ge [sflag:s23], $0x1  }
0xa6: {  	[sflag:s23] =	ssyncset.done $0x0  }
0xa7: {  	s25 =	simm.s32 $0x1B8E;
	s24 =	sld [smem:$0x3FFE];
	[sflag:s23] =	ssyncadd.s32 $0xFFFFFFFF  }
0xa8: {  	s26 =	simm.s32 $execute0_lowered;
	[smem:$0x3FD2] =	sst s25  }
0xa9: {  	s8 =	sshll.u32 s26, $0x1;
	_ =	strace $0x80000046;
	[dreg:$0x1] =	wrdreg $0xFFFFFFFF  }
0xaa: {  	s28 =	simm.s32 $_size_execute0_lowered;
	s6 =	sadd.s32 s6, s8;
	[dreg:$0x0] =	wrdreg $0x0  }
0xab: {  	s8 =	sshll.u32 s28, $0x1;
	[dreg:$0x2] =	wrdreg s6  }
0xac: {  	[dreg:$0x3] =	wrdreg s8  }
0xad: {  	[dreg:$0x4] =	wrdreg $0xC0  }
0xae: {  	_ =	task [dreg:s10], $0x5FFFF  }
0xaf: {  	[dreg:$0x1] =	wrdreg $0xFFFFFFFF  }
0xb0: {  	[dreg:$0x0] =	wrdreg $0x60  }
0xb1: {  	[dreg:$0x2] =	wrdreg s2  }
0xb2: {  	[dreg:$0x3] =	wrdreg s18  }
0xb3: {  	[dreg:$0x4] =	wrdreg s4  }
0xb4: {  	[dreg:$0x5] =	wrdreg s5  }
0xb5: {  	[dreg:$0x6] =	wrdreg s24  }
0xb6: {  	[dreg:$0x7] =	wrdreg $0x9  }
0xb7: {  	_ =	task.clear_ibuf [dreg:s10], $0x8FFFF;
	_ =	strace $0x90000046  }
0xb8: {  	s29 =	simm.s32 $0x9;
	_ =	strace $0x80000048  }
0xb9: {  	_ =	swait.ge [sflag:s29], $0x1  }
0xba: {  	[sflag:s29] =	ssyncadd.s32 $0xFFFFFFFF  }
0xbb: {  	_ =	strace $0x90000048  }
0xbc: {  	_ =	sfence  }
0xbd: {  	s30 =	sld [smem:$0x0];
	_ =	sdelay $0x2  }
0xbe: {  	s31 =	sshll.u32 s1, $0xD;
	s1 =	sshrl.u32 s1, $0x2  }
0xbf: {  	s3 =	sand.u32 $0x4000, s31;
	s1 =	sadd.s32 s1, s30  }
0xc0: {  	s0 =	sor.u32 s3, s0;
	s1 =	sshll.u32 s1, $0x11  }
0xc1: {  	s0 =	sor.u32 s1, s0  }
0xc2: {  	s0 =	sadd.s32 $0x8F2B, s0  }
0xc3: {  	[sflag:s0] =	ssyncadd.remote.s32 $0x1  }
0xc4: {  	_ =	sfence.sel $0xFFFF  }
0xc5: {  	[dreg:$0x0] =	wrdreg $0xFFFFFFFF;
	(pc) =	sbr.abs _section_cstart, $3  }
0xc6: {  	[dreg:$0x1] =	wrdreg $0xFFFFFFFF  }
0xc7: {  	_ =	task.clear_ibuf [dreg:s10], $0x2FFFF;
	_ =	strace $0x9FFFFFFF  }
0xc8: {  	(tm) =	ssettm $0x7FFFFFFF  }
0xc9: {  	_ =	shalt  }
tec
execute0_lowered:
.L_overlay_start_1:
0x0: {  	(tag) =	ssettag $0x1  }
0x1: {  	s2 =	rddreg [dreg:$0x0]  }
0x2: {  	s5 =	rddreg [dreg:$0x1];
	s4 =	srdreg.scid  }
0x3: {  	s1 =	rddreg [dreg:$0x2];
	s7 =	stileid.u32;
	s6 =	sand.u32 $0x1, s4  }
0x4: {  	s3 =	rddreg [dreg:$0x3];
	s7 =	sshll.u32 s7, $0xA;
	s8 =	sshll.u32 s6, $0x9  }
0x5: {  	s0 =	rddreg [dreg:$0x4];
	s4 =	simm.s32 $0x0;
	s7 =	sor.u32 s8, s7  }
0x6: {  	s10 =	sadd.s32 $0x288800, s0;
	[smem:$0x7FF] =	sst s4;
	s9 =	sshrl.u32 s7, $0x3  }
0x7: {  	_ =	strace $0x80000047;
	s8 =	sadd.s32 $0x208800, s0;
	s2 =	sadd.s32 s2, s9  }
0x8: {  	s14 =	sshll.u32 s7, $0x5;
	s13 =	sadd.s32 s5, s9;
	[dreg:$0x6] =	wrdreg s2  }
0x9: {  	s11 =	sadd.s32 $0x188800, s0;
	s15 =	sadd.s32 s8, s14;
	[dreg:$0x7] =	wrdreg s13  }
0xa: {  	s17 =	sshll.u32 s7, $0x4;
	s16 =	sadd.s32 s10, s14;
	[dreg:$0x8] =	wrdreg s15  }
0xb: {  	s12 =	sadd.s32 $0x1C8800, s0;
	s18 =	sadd.s32 s11, s17;
	[dreg:$0x9] =	wrdreg s16  }
0xc: {  	s19 =	sor.u32 $0x10, s9;
	s20 =	sadd.s32 s12, s17;
	[dreg:$0xa] =	wrdreg s18  }
0xd: {  	s26 =	sor.u32 $0x20, s9;
	s21 =	sshll.u32 s19, $0x8;
	[dreg:$0xb] =	wrdreg s20  }
0xe: {  	s30 =	sshll.u32 s26, $0x8;
	s14 =	sshll.u32 s26, $0x7;
	s26 =	simm.s32 $0x100  }
0xf: {  	s22 =	sadd.s32 s8, s21;
	[dreg:$0x19] =	wrdreg s26  }
0x10: {  	s24 =	sshll.u32 s19, $0x7;
	s23 =	sadd.s32 s10, s21;
	[dreg:$0xc] =	wrdreg s22  }
0x11: {  	s25 =	sadd.s32 s11, s24;
	[dreg:$0xd] =	wrdreg s23  }
0x12: {  	s28 =	sadd.s32 s12, s24;
	[dreg:$0xe] =	wrdreg s25  }
0x13: {  	s31 =	sadd.s32 s8, s30;
	[dreg:$0xf] =	wrdreg s28  }
0x14: {  	s13 =	sadd.s32 s10, s30;
	[dreg:$0x10] =	wrdreg s31  }
0x15: {  	s15 =	sadd.s32 s11, s14;
	[dreg:$0x11] =	wrdreg s13  }
0x16: {  	s16 =	sor.u32 $0x30, s9;
	s17 =	sadd.s32 s12, s14;
	[dreg:$0x12] =	wrdreg s15  }
0x17: {  	s18 =	sshll.u32 s16, $0x8;
	s30 =	simm.s32 $0x180;
	[dreg:$0x13] =	wrdreg s17  }
0x18: {  	s29 =	simm.s32 $0x400;
	s19 =	sadd.s32 s8, s18;
	[dreg:$0x1b] =	wrdreg s30  }
0x19: {  	s21 =	sshll.u32 s16, $0x7;
	s20 =	sadd.s32 s10, s18;
	[dreg:$0x14] =	wrdreg s19  }
0x1a: {  	s6 =	ssub.s32 $0x2, s6;
	s23 =	sadd.s32 s11, s21;
	[dreg:$0x15] =	wrdreg s20  }
0x1b: {  	s5 =	sadd.s32 $0x1E00, s0;
	s24 =	sadd.s32 s12, s21;
	[dreg:$0x16] =	wrdreg s23  }
0x1c: {  	s22 =	sshrl.u32 s6, $0x1;
	s25 =	simm.s32 $0x280;
	[dreg:$0x17] =	wrdreg s24  }
0x1d: {  	s28 =	simm.s32 $0x300;
	s31 =	simm.s32 $0x380;
	[dreg:$0x18] =	wrdreg s25  }
0x1e: {  	s17 =	simm.s32 $0x80;
	s18 =	simm.s32 $0x10400;
	[dreg:$0x1a] =	wrdreg s28  }
0x1f: {  	v2 =	vlaneseq.u32;
	s21 =	simm.s32 $0x2;
	s6 =	ssub.s32 s6, s22;
	[dreg:$0x1c] =	wrdreg s31  }
0x20: {  	vm0 =	vmmov $0xffff;
	v1 =	vshrl.u32 v2, $0x3;
	s25 =	simm.s32 $0x8400;
	s19 =	simm.s32 $0x14400;
	s20 =	simm.s32 $0x1  }
0x21: {  	v0 =	vand.u32 $0x7, v2;
	v2 =	vor.u32 $0x8, v2;
	v1 =	vmul.u32 $0x8, v1;
	s22 =	simm.s32 $0x3;
	s23 =	simm.s32 $0x4;
	s6 =	smax.u32 s6, $0x1  }
.LBB2_1:
0x22: {  	s24 =	rddreg [dreg:$0x6];
	s0 =	simm.s32 $0x5  }
0x23: {  	[tilespmem:s4], [sflag:$0x5] =	stream.linear.gather [hbm4b:s24+s4], $0x200, $0x38;
	[tilespmem:$0x18400] =	vst v63  }
0x24: {  	_ =	swait.ge [sflag:s0], $0x200  }
0x25: {  	[sflag:s0] =	ssyncset.done $0x0  }
0x26: {  	s26 =	simm.s32 $0x200;
	s30 =	rddreg [dreg:$0x7];
	[sflag:s0] =	ssyncadd.s32 $0xFFFFFE00  }
0x27: {  	[tilespmem:s26], [sflag:$0x5] =	stream.linear.gather [hbm4b:s30+s4], $0x200, $0x38;
	[tilespmem:$0x18400] =	vst v63  }
0x28: {  	_ =	swait.ge [sflag:s0], $0x200  }
0x29: {  	[sflag:s0] =	ssyncset.done $0x0  }
0x2a: {  	[sflag:s0] =	ssyncadd.s32 $0xFFFFFE00  }
0x2b: {  	v3 =	vld [tilespmem:$0x0];
	_ =	sdelay $0x4  }
0x2c: {  	v4 =	vshll.u32 v3, $0x1  }
0x2d: {  	v3 =	vand.u32 $0x7, v3;
	v4 =	vand.u32 $0xFFFFFFF0, v4  }
0x2e: {  	v3 =	vor.u32 v3, v4  }
0x2f: {  	v4 =	vperm.xlane v3, v0;
	_ =	sdelay $0x1  }
0x30: {  	v3 =	vperm.xlane v3, v2;
	v4 =	vadd.s32 v1, v4;
	_ =	sdelay $0x1  }
0x31: {  	v3 =	vadd.s32 v1, v3;
	_ =	sdelay $0x2  }
0x32: {  	[tilespmem:s29], [sflag:$0x1] =	stream.indirect_vreg.gather [hbm4b:s1+s4], $0x80, v4, vm0, $0xb8;
	[tilespmem:$0x18400] =	vst v63  }
0x33: {  	s31 =	simm.s32 $0xC00  }
0x34: {  	[tilespmem:s31], [sflag:$0x1] =	stream.indirect_vreg.gather [hbm4b:s1+s4], $0x80, v3, vm0, $0xb8;
	[tilespmem:$0x18400] =	vst v63  }
0x35: {  	v3 =	vld [tilespmem:$0x10];
	_ =	sdelay $0x4  }
0x36: {  	v57 =	vshll.u32 v3, $0x1  }
0x37: {  	v3 =	vand.u32 $0x7, v3;
	v4 =	vand.u32 $0xFFFFFFF0, v57  }
0x38: {  	v3 =	vor.u32 v3, v4  }
0x39: {  	v4 =	vperm.xlane v3, v0;
	_ =	sdelay $0x1  }
0x3a: {  	v3 =	vperm.xlane v3, v2;
	v4 =	vadd.s32 v1, v4;
	_ =	sdelay $0x1  }
0x3b: {  	v3 =	vadd.s32 v1, v3;
	_ =	sdelay $0x1  }
0x3c: {  	s2 =	simm.s32 $0x1400  }
0x3d: {  	[tilespmem:s2], [sflag:$0x1] =	stream.indirect_vreg.gather [hbm4b:s1+s4], $0x80, v4, vm0, $0xb8;
	[tilespmem:$0x18400] =	vst v63  }
0x3e: {  	s7 =	simm.s32 $0x1C00  }
0x3f: {  	[tilespmem:s7], [sflag:$0x1] =	stream.indirect_vreg.gather [hbm4b:s1+s4], $0x80, v3, vm0, $0xb8;
	[tilespmem:$0x18400] =	vst v63  }
0x40: {  	v3 =	vld [tilespmem:$0x20];
	_ =	sdelay $0x4  }
0x41: {  	v58 =	vshll.u32 v3, $0x1  }
0x42: {  	v3 =	vand.u32 $0x7, v3;
	v4 =	vand.u32 $0xFFFFFFF0, v58  }
0x43: {  	v3 =	vor.u32 v3, v4  }
0x44: {  	v4 =	vperm.xlane v3, v0;
	_ =	sdelay $0x1  }
0x45: {  	v3 =	vperm.xlane v3, v2;
	v4 =	vadd.s32 v1, v4;
	_ =	sdelay $0x1  }
0x46: {  	v3 =	vadd.s32 v1, v3;
	_ =	sdelay $0x1  }
0x47: {  	s8 =	simm.s32 $0x2400  }
0x48: {  	[tilespmem:s8], [sflag:$0x1] =	stream.indirect_vreg.gather [hbm4b:s1+s4], $0x80, v4, vm0, $0xb8;
	[tilespmem:$0x18400] =	vst v63  }
0x49: {  	s9 =	simm.s32 $0x2C00  }
0x4a: {  	[tilespmem:s9], [sflag:$0x1] =	stream.indirect_vreg.gather [hbm4b:s1+s4], $0x80, v3, vm0, $0xb8;
	[tilespmem:$0x18400] =	vst v63  }
0x4b: {  	v3 =	vld [tilespmem:$0x30];
	_ =	sdelay $0x4  }
0x4c: {  	v59 =	vshll.u32 v3, $0x1  }
0x4d: {  	v3 =	vand.u32 $0x7, v3;
	v4 =	vand.u32 $0xFFFFFFF0, v59  }
0x4e: {  	v3 =	vor.u32 v3, v4  }
0x4f: {  	v4 =	vperm.xlane v3, v0;
	_ =	sdelay $0x1  }
0x50: {  	v3 =	vperm.xlane v3, v2;
	v4 =	vadd.s32 v1, v4;
	_ =	sdelay $0x1  }
0x51: {  	v3 =	vadd.s32 v1, v3;
	_ =	sdelay $0x1  }
0x52: {  	s12 =	simm.s32 $0x3400  }
0x53: {  	[tilespmem:s12], [sflag:$0x1] =	stream.indirect_vreg.gather [hbm4b:s1+s4], $0x80, v4, vm0, $0xb8;
	[tilespmem:$0x18400] =	vst v63  }
0x54: {  	s13 =	simm.s32 $0x3C00  }
0x55: {  	[tilespmem:s13], [sflag:$0x1] =	stream.indirect_vreg.gather [hbm4b:s1+s4], $0x80, v3, vm0, $0xb8;
	[tilespmem:$0x18400] =	vst v63  }
0x56: {  	v3 =	vld [tilespmem:$0x40];
	_ =	sdelay $0x4  }
0x57: {  	v60 =	vshll.u32 v3, $0x1  }
0x58: {  	v3 =	vand.u32 $0x7, v3;
	v4 =	vand.u32 $0xFFFFFFF0, v60  }
0x59: {  	v3 =	vor.u32 v3, v4  }
0x5a: {  	v4 =	vperm.xlane v3, v0;
	_ =	sdelay $0x1  }
0x5b: {  	v3 =	vperm.xlane v3, v2;
	v4 =	vadd.s32 v1, v4;
	_ =	sdelay $0x1  }
0x5c: {  	v3 =	vadd.s32 v1, v3;
	_ =	sdelay $0x1  }
0x5d: {  	s14 =	simm.s32 $0x4400  }
0x5e: {  	[tilespmem:s14], [sflag:$0x1] =	stream.indirect_vreg.gather [hbm4b:s1+s4], $0x80, v4, vm0, $0xb8;
	[tilespmem:$0x18400] =	vst v63  }
0x5f: {  	s15 =	simm.s32 $0x4C00  }
0x60: {  	[tilespmem:s15], [sflag:$0x1] =	stream.indirect_vreg.gather [hbm4b:s1+s4], $0x80, v3, vm0, $0xb8;
	[tilespmem:$0x18400] =	vst v63  }
0x61: {  	v3 =	vld [tilespmem:$0x50];
	_ =	sdelay $0x4  }
0x62: {  	v61 =	vshll.u32 v3, $0x1  }
0x63: {  	v3 =	vand.u32 $0x7, v3;
	v4 =	vand.u32 $0xFFFFFFF0, v61  }
0x64: {  	v3 =	vor.u32 v3, v4  }
0x65: {  	v4 =	vperm.xlane v3, v0;
	_ =	sdelay $0x1  }
0x66: {  	v3 =	vperm.xlane v3, v2;
	v4 =	vadd.s32 v1, v4;
	_ =	sdelay $0x1  }
0x67: {  	v3 =	vadd.s32 v1, v3;
	_ =	sdelay $0x1  }
0x68: {  	s16 =	simm.s32 $0x5400  }
0x69: {  	[tilespmem:s16], [sflag:$0x1] =	stream.indirect_vreg.gather [hbm4b:s1+s4], $0x80, v4, vm0, $0xb8;
	[tilespmem:$0x18400] =	vst v63  }
0x6a: {  	s24 =	simm.s32 $0x5C00  }
0x6b: {  	[tilespmem:s24], [sflag:$0x1] =	stream.indirect_vreg.gather [hbm4b:s1+s4], $0x80, v3, vm0, $0xb8;
	[tilespmem:$0x18400] =	vst v63  }
0x6c: {  	v3 =	vld [tilespmem:$0x60];
	_ =	sdelay $0x4  }
0x6d: {  	v62 =	vshll.u32 v3, $0x1  }
0x6e: {  	v3 =	vand.u32 $0x7, v3;
	v4 =	vand.u32 $0xFFFFFFF0, v62  }
0x6f: {  	v3 =	vor.u32 v3, v4  }
0x70: {  	v4 =	vperm.xlane v3, v0;
	_ =	sdelay $0x1  }
0x71: {  	v3 =	vperm.xlane v3, v2;
	v4 =	vadd.s32 v1, v4;
	_ =	sdelay $0x1  }
0x72: {  	v3 =	vadd.s32 v1, v3;
	_ =	sdelay $0x1  }
0x73: {  	s28 =	simm.s32 $0x6400  }
0x74: {  	[tilespmem:s28], [sflag:$0x1] =	stream.indirect_vreg.gather [hbm4b:s1+s4], $0x80, v4, vm0, $0xb8;
	[tilespmem:$0x18400] =	vst v63  }
0x75: {  	s30 =	simm.s32 $0x6C00  }
0x76: {  	[tilespmem:s30], [sflag:$0x1] =	stream.indirect_vreg.gather [hbm4b:s1+s4], $0x80, v3, vm0, $0xb8;
	[tilespmem:$0x18400] =	vst v63  }
0x77: {  	v3 =	vld [tilespmem:$0x70];
	_ =	sdelay $0x4  }
0x78: {  	v63 =	vshll.u32 v3, $0x1  }
0x79: {  	v3 =	vand.u32 $0x7, v3;
	v4 =	vand.u32 $0xFFFFFFF0, v63  }
0x7a: {  	v3 =	vor.u32 v3, v4  }
0x7b: {  	v4 =	vperm.xlane v3, v0;
	_ =	sdelay $0x1  }
0x7c: {  	v3 =	vperm.xlane v3, v2;
	v4 =	vadd.s32 v1, v4;
	_ =	sdelay $0x1  }
0x7d: {  	v3 =	vadd.s32 v1, v3;
	_ =	sdelay $0x1  }
0x7e: {  	s31 =	simm.s32 $0x7400  }
0x7f: {  	[tilespmem:s31], [sflag:$0x1] =	stream.indirect_vreg.gather [hbm4b:s1+s4], $0x80, v4, vm0, $0xb8;
	[tilespmem:$0x18400] =	vst v63  }
0x80: {  	s12 =	simm.s32 $0x7C00  }
0x81: {  	[tilespmem:s12], [sflag:$0x1] =	stream.indirect_vreg.gather [hbm4b:s1+s4], $0x80, v3, vm0, $0xb8;
	[tilespmem:$0x18400] =	vst v63  }
0x82: {  	v3 =	vld [tilespmem:$0x200];
	_ =	sdelay $0x4  }
0x83: {  	v8 =	vshll.u32 v3, $0x1  }
0x84: {  	v3 =	vand.u32 $0x7, v3;
	v4 =	vand.u32 $0xFFFFFFF0, v8  }
0x85: {  	v3 =	vor.u32 v3, v4  }
0x86: {  	v4 =	vperm.xlane v3, v0;
	_ =	sdelay $0x1  }
0x87: {  	v3 =	vperm.xlane v3, v2;
	v4 =	vadd.s32 v1, v4;
	_ =	sdelay $0x1  }
0x88: {  	v3 =	vadd.s32 v1, v3;
	_ =	sdelay $0x2  }
0x89: {  	[tilespmem:s25], [sflag:$0x2] =	stream.indirect_vreg.gather [hbm4b:s3+s4], $0x80, v4, vm0, $0xb8;
	[tilespmem:$0x18400] =	vst v63  }
0x8a: {  	s13 =	simm.s32 $0x8C00  }
0x8b: {  	[tilespmem:s13], [sflag:$0x2] =	stream.indirect_vreg.gather [hbm4b:s3+s4], $0x80, v3, vm0, $0xb8;
	[tilespmem:$0x18400] =	vst v63  }
0x8c: {  	v3 =	vld [tilespmem:$0x210];
	_ =	sdelay $0x4  }
0x8d: {  	v9 =	vshll.u32 v3, $0x1  }
0x8e: {  	v3 =	vand.u32 $0x7, v3;
	v4 =	vand.u32 $0xFFFFFFF0, v9  }
0x8f: {  	v3 =	vor.u32 v3, v4  }
0x90: {  	v4 =	vperm.xlane v3, v0;
	_ =	sdelay $0x1  }
0x91: {  	v3 =	vperm.xlane v3, v2;
	v4 =	vadd.s32 v1, v4;
	_ =	sdelay $0x1  }
0x92: {  	v3 =	vadd.s32 v1, v3;
	_ =	sdelay $0x1  }
0x93: {  	s14 =	simm.s32 $0x9400  }
0x94: {  	[tilespmem:s14], [sflag:$0x2] =	stream.indirect_vreg.gather [hbm4b:s3+s4], $0x80, v4, vm0, $0xb8;
	[tilespmem:$0x18400] =	vst v63  }
0x95: {  	s15 =	simm.s32 $0x9C00  }
0x96: {  	[tilespmem:s15], [sflag:$0x2] =	stream.indirect_vreg.gather [hbm4b:s3+s4], $0x80, v3, vm0, $0xb8;
	[tilespmem:$0x18400] =	vst v63  }
0x97: {  	v3 =	vld [tilespmem:$0x220];
	_ =	sdelay $0x4  }
0x98: {  	v10 =	vshll.u32 v3, $0x1  }
0x99: {  	v3 =	vand.u32 $0x7, v3;
	v4 =	vand.u32 $0xFFFFFFF0, v10  }
0x9a: {  	v3 =	vor.u32 v3, v4  }
0x9b: {  	v4 =	vperm.xlane v3, v0;
	_ =	sdelay $0x1  }
0x9c: {  	v3 =	vperm.xlane v3, v2;
	v4 =	vadd.s32 v1, v4;
	_ =	sdelay $0x1  }
0x9d: {  	v3 =	vadd.s32 v1, v3;
	_ =	sdelay $0x1  }
0x9e: {  	s16 =	simm.s32 $0xA400  }
0x9f: {  	[tilespmem:s16], [sflag:$0x2] =	stream.indirect_vreg.gather [hbm4b:s3+s4], $0x80, v4, vm0, $0xb8;
	[tilespmem:$0x18400] =	vst v63  }
0xa0: {  	s28 =	simm.s32 $0xAC00  }
0xa1: {  	[tilespmem:s28], [sflag:$0x2] =	stream.indirect_vreg.gather [hbm4b:s3+s4], $0x80, v3, vm0, $0xb8;
	[tilespmem:$0x18400] =	vst v63  }
0xa2: {  	v3 =	vld [tilespmem:$0x230];
	_ =	sdelay $0x4  }
0xa3: {  	v11 =	vshll.u32 v3, $0x1  }
0xa4: {  	v3 =	vand.u32 $0x7, v3;
	v4 =	vand.u32 $0xFFFFFFF0, v11  }
0xa5: {  	v3 =	vor.u32 v3, v4  }
0xa6: {  	v4 =	vperm.xlane v3, v0;
	_ =	sdelay $0x1  }
0xa7: {  	v3 =	vperm.xlane v3, v2;
	v4 =	vadd.s32 v1, v4;
	_ =	sdelay $0x1  }
0xa8: {  	v3 =	vadd.s32 v1, v3;
	_ =	sdelay $0x1  }
0xa9: {  	s31 =	simm.s32 $0xB400  }
0xaa: {  	[tilespmem:s31], [sflag:$0x2] =	stream.indirect_vreg.gather [hbm4b:s3+s4], $0x80, v4, vm0, $0xb8;
	[tilespmem:$0x18400] =	vst v63  }
0xab: {  	s0 =	simm.s32 $0xBC00  }
0xac: {  	[tilespmem:s0], [sflag:$0x2] =	stream.indirect_vreg.gather [hbm4b:s3+s4], $0x80, v3, vm0, $0xb8;
	[tilespmem:$0x18400] =	vst v63  }
0xad: {  	v3 =	vld [tilespmem:$0x240];
	_ =	sdelay $0x4  }
0xae: {  	v12 =	vshll.u32 v3, $0x1  }
0xaf: {  	v3 =	vand.u32 $0x7, v3;
	v4 =	vand.u32 $0xFFFFFFF0, v12  }
0xb0: {  	v3 =	vor.u32 v3, v4  }
0xb1: {  	v4 =	vperm.xlane v3, v0;
	_ =	sdelay $0x1  }
0xb2: {  	v3 =	vperm.xlane v3, v2;
	v4 =	vadd.s32 v1, v4;
	_ =	sdelay $0x1  }
0xb3: {  	v3 =	vadd.s32 v1, v3;
	_ =	sdelay $0x1  }
0xb4: {  	s12 =	simm.s32 $0xC400  }
0xb5: {  	[tilespmem:s12], [sflag:$0x2] =	stream.indirect_vreg.gather [hbm4b:s3+s4], $0x80, v4, vm0, $0xb8;
	[tilespmem:$0x18400] =	vst v63  }
0xb6: {  	s15 =	simm.s32 $0xCC00  }
0xb7: {  	[tilespmem:s15], [sflag:$0x2] =	stream.indirect_vreg.gather [hbm4b:s3+s4], $0x80, v3, vm0, $0xb8;
	[tilespmem:$0x18400] =	vst v63  }
0xb8: {  	v3 =	vld [tilespmem:$0x250];
	_ =	sdelay $0x4  }
0xb9: {  	v13 =	vshll.u32 v3, $0x1  }
0xba: {  	v3 =	vand.u32 $0x7, v3;
	v4 =	vand.u32 $0xFFFFFFF0, v13  }
0xbb: {  	v3 =	vor.u32 v3, v4  }
0xbc: {  	v4 =	vperm.xlane v3, v0;
	_ =	sdelay $0x1  }
0xbd: {  	v3 =	vperm.xlane v3, v2;
	v4 =	vadd.s32 v1, v4;
	_ =	sdelay $0x1  }
0xbe: {  	v3 =	vadd.s32 v1, v3;
	_ =	sdelay $0x1  }
0xbf: {  	s16 =	simm.s32 $0xD400  }
0xc0: {  	[tilespmem:s16], [sflag:$0x2] =	stream.indirect_vreg.gather [hbm4b:s3+s4], $0x80, v4, vm0, $0xb8;
	[tilespmem:$0x18400] =	vst v63  }
0xc1: {  	s28 =	simm.s32 $0xDC00  }
0xc2: {  	[tilespmem:s28], [sflag:$0x2] =	stream.indirect_vreg.gather [hbm4b:s3+s4], $0x80, v3, vm0, $0xb8;
	[tilespmem:$0x18400] =	vst v63  }
0xc3: {  	v3 =	vld [tilespmem:$0x260];
	_ =	sdelay $0x4  }
0xc4: {  	v14 =	vshll.u32 v3, $0x1  }
0xc5: {  	v3 =	vand.u32 $0x7, v3;
	v4 =	vand.u32 $0xFFFFFFF0, v14  }
0xc6: {  	v3 =	vor.u32 v3, v4  }
0xc7: {  	v4 =	vperm.xlane v3, v0;
	_ =	sdelay $0x1  }
0xc8: {  	v3 =	vperm.xlane v3, v2;
	v4 =	vadd.s32 v1, v4;
	_ =	sdelay $0x1  }
0xc9: {  	v3 =	vadd.s32 v1, v3;
	_ =	sdelay $0x1  }
0xca: {  	s31 =	simm.s32 $0xE400  }
0xcb: {  	[tilespmem:s31], [sflag:$0x2] =	stream.indirect_vreg.gather [hbm4b:s3+s4], $0x80, v4, vm0, $0xb8;
	[tilespmem:$0x18400] =	vst v63  }
0xcc: {  	s0 =	simm.s32 $0xEC00  }
0xcd: {  	[tilespmem:s0], [sflag:$0x2] =	stream.indirect_vreg.gather [hbm4b:s3+s4], $0x80, v3, vm0, $0xb8;
	[tilespmem:$0x18400] =	vst v63  }
0xce: {  	v3 =	vld [tilespmem:$0x270];
	_ =	sdelay $0x4  }
0xcf: {  	v15 =	vshll.u32 v3, $0x1  }
0xd0: {  	v3 =	vand.u32 $0x7, v3;
	v4 =	vand.u32 $0xFFFFFFF0, v15  }
0xd1: {  	v3 =	vor.u32 v3, v4  }
0xd2: {  	v4 =	vperm.xlane v3, v0;
	_ =	sdelay $0x1  }
0xd3: {  	v3 =	vperm.xlane v3, v2;
	v4 =	vadd.s32 v1, v4;
	_ =	sdelay $0x1  }
0xd4: {  	v3 =	vadd.s32 v1, v3;
	_ =	sdelay $0x1  }
0xd5: {  	s12 =	simm.s32 $0xF400  }
0xd6: {  	[tilespmem:s12], [sflag:$0x2] =	stream.indirect_vreg.gather [hbm4b:s3+s4], $0x80, v4, vm0, $0xb8;
	[tilespmem:$0x18400] =	vst v63  }
0xd7: {  	s31 =	simm.s32 $0xFC00  }
0xd8: {  	[tilespmem:s31], [sflag:$0x2] =	stream.indirect_vreg.gather [hbm4b:s3+s4], $0x80, v3, vm0, $0xb8;
	[tilespmem:$0x18400] =	vst v63  }
0xd9: {  	_ = 	snop  }
0xda: {  	[tilespmem:s18], [sflag:$0x3] =	stream.indirect.gather [hbm4b:s5+s17], $0x80, s4, s17, $0xb8;
	[tilespmem:$0x18400] =	vst v63  }
0xdb: {  	_ = 	snop  }
0xdc: {  	[tilespmem:s19], [sflag:$0x4] =	stream.indirect.gather [hbm4b:s5+s17], $0x80, s26, s17, $0xb8;
	[tilespmem:$0x18400] =	vst v63  }
0xdd: {  	_ =	swait.ge [sflag:s20], $0x8000  }
0xde: {  	[sflag:s20] =	ssyncset.done $0x0  }
0xdf: {  	[sflag:s20] =	ssyncadd.s32 $0xFFFF8000  }
0xe0: {  	_ =	swait.ge [sflag:s21], $0x8000  }
0xe1: {  	[sflag:s21] =	ssyncset.done $0x0  }
0xe2: {  	[sflag:s21] =	ssyncadd.s32 $0xFFFF8000  }
0xe3: {  	_ =	swait.ge [sflag:s22], $0x4000  }
0xe4: {  	[sflag:s22] =	ssyncset.done $0x0  }
0xe5: {  	[sflag:s22] =	ssyncadd.s32 $0xFFFFC000  }
0xe6: {  	_ =	swait.ge [sflag:s23], $0x4000  }
0xe7: {  	[sflag:s23] =	ssyncset.done $0x0  }
0xe8: {  	s0 =	rddreg [dreg:$0x8];
	[sflag:s23] =	ssyncadd.s32 $0xFFFFC000  }
0xe9: {  	[hbm4b:s0+s4] =	stream.linear.scatter [tilespmem:s29], [sflag:$0x1], $0x8000, $0x38;
	[tilespmem:$0x18400] =	vst v63  }
0xea: {  	s12 =	rddreg [dreg:$0x9]  }
0xeb: {  	[hbm4b:s12+s4] =	stream.linear.scatter [tilespmem:s25], [sflag:$0x2], $0x8000, $0x38;
	[tilespmem:$0x18400] =	vst v63  }
0xec: {  	s0 =	rddreg [dreg:$0xa]  }
0xed: {  	[hbm4b:s0+s4] =	stream.linear.scatter [tilespmem:s18], [sflag:$0x3], $0x4000, $0x38;
	[tilespmem:$0x18400] =	vst v63  }
0xee: {  	s12 =	rddreg [dreg:$0xb]  }
0xef: {  	[hbm4b:s12+s4] =	stream.linear.scatter [tilespmem:s19], [sflag:$0x4], $0x4000, $0x38;
	[tilespmem:$0x18400] =	vst v63  }
0xf0: {  	_ =	swait.ge [sflag:s20], $0x8000  }
0xf1: {  	[sflag:s20] =	ssyncset.done $0x0  }
0xf2: {  	[sflag:s20] =	ssyncadd.s32 $0xFFFF8000  }
0xf3: {  	_ =	swait.ge [sflag:s21], $0x8000  }
0xf4: {  	[sflag:s21] =	ssyncset.done $0x0  }
0xf5: {  	[sflag:s21] =	ssyncadd.s32 $0xFFFF8000  }
0xf6: {  	_ =	swait.ge [sflag:s22], $0x4000  }
0xf7: {  	[sflag:s22] =	ssyncset.done $0x0  }
0xf8: {  	[sflag:s22] =	ssyncadd.s32 $0xFFFFC000  }
0xf9: {  	_ =	swait.ge [sflag:s23], $0x4000  }
0xfa: {  	[sflag:s23] =	ssyncset.done $0x0  }
0xfb: {  	[sflag:s23] =	ssyncadd.s32 $0xFFFFC000  }
0xfc: {  	v3 =	vld [tilespmem:$0x80];
	_ =	sdelay $0x4  }
0xfd: {  	v16 =	vshll.u32 v3, $0x1  }
0xfe: {  	v3 =	vand.u32 $0x7, v3;
	v4 =	vand.u32 $0xFFFFFFF0, v16  }
0xff: {  	v3 =	vor.u32 v3, v4  }
0x100: {  	v4 =	vperm.xlane v3, v0;
	_ =	sdelay $0x1  }
0x101: {  	v3 =	vperm.xlane v3, v2;
	v4 =	vadd.s32 v1, v4;
	_ =	sdelay $0x1  }
0x102: {  	v3 =	vadd.s32 v1, v3;
	_ =	sdelay $0x2  }
0x103: {  	[tilespmem:s29], [sflag:$0x1] =	stream.indirect_vreg.gather [hbm4b:s1+s4], $0x80, v4, vm0, $0xb8;
	[tilespmem:$0x18400] =	vst v63  }
0x104: {  	s10 =	simm.s32 $0xC00  }
0x105: {  	[tilespmem:s10], [sflag:$0x1] =	stream.indirect_vreg.gather [hbm4b:s1+s4], $0x80, v3, vm0, $0xb8;
	[tilespmem:$0x18400] =	vst v63  }
0x106: {  	v3 =	vld [tilespmem:$0x90];
	_ =	sdelay $0x4  }
0x107: {  	v17 =	vshll.u32 v3, $0x1  }
0x108: {  	v3 =	vand.u32 $0x7, v3;
	v4 =	vand.u32 $0xFFFFFFF0, v17  }
0x109: {  	v3 =	vor.u32 v3, v4  }
0x10a: {  	v4 =	vperm.xlane v3, v0;
	_ =	sdelay $0x1  }
0x10b: {  	v3 =	vperm.xlane v3, v2;
	v4 =	vadd.s32 v1, v4;
	_ =	sdelay $0x1  }
0x10c: {  	v3 =	vadd.s32 v1, v3;
	_ =	sdelay $0x1  }
0x10d: {  	s2 =	simm.s32 $0x1400  }
0x10e: {  	[tilespmem:s2], [sflag:$0x1] =	stream.indirect_vreg.gather [hbm4b:s1+s4], $0x80, v4, vm0, $0xb8;
	[tilespmem:$0x18400] =	vst v63  }
0x10f: {  	s11 =	simm.s32 $0x1C00  }
0x110: {  	[tilespmem:s11], [sflag:$0x1] =	stream.indirect_vreg.gather [hbm4b:s1+s4], $0x80, v3, vm0, $0xb8;
	[tilespmem:$0x18400] =	vst v63  }
0x111: {  	v3 =	vld [tilespmem:$0xA0];
	_ =	sdelay $0x4  }
0x112: {  	v18 =	vshll.u32 v3, $0x1  }
0x113: {  	v3 =	vand.u32 $0x7, v3;
	v4 =	vand.u32 $0xFFFFFFF0, v18  }
0x114: {  	v3 =	vor.u32 v3, v4  }
0x115: {  	v4 =	vperm.xlane v3, v0;
	_ =	sdelay $0x1  }
0x116: {  	v3 =	vperm.xlane v3, v2;
	v4 =	vadd.s32 v1, v4;
	_ =	sdelay $0x1  }
0x117: {  	v3 =	vadd.s32 v1, v3;
	_ =	sdelay $0x1  }
0x118: {  	s7 =	simm.s32 $0x2400  }
0x119: {  	[tilespmem:s7], [sflag:$0x1] =	stream.indirect_vreg.gather [hbm4b:s1+s4], $0x80, v4, vm0, $0xb8;
	[tilespmem:$0x18400] =	vst v63  }
0x11a: {  	s8 =	simm.s32 $0x2C00  }
0x11b: {  	[tilespmem:s8], [sflag:$0x1] =	stream.indirect_vreg.gather [hbm4b:s1+s4], $0x80, v3, vm0, $0xb8;
	[tilespmem:$0x18400] =	vst v63  }
0x11c: {  	v3 =	vld [tilespmem:$0xB0];
	_ =	sdelay $0x4  }
0x11d: {  	v19 =	vshll.u32 v3, $0x1  }
0x11e: {  	v3 =	vand.u32 $0x7, v3;
	v4 =	vand.u32 $0xFFFFFFF0, v19  }
0x11f: {  	v3 =	vor.u32 v3, v4  }
0x120: {  	v4 =	vperm.xlane v3, v0;
	_ =	sdelay $0x1  }
0x121: {  	v3 =	vperm.xlane v3, v2;
	v4 =	vadd.s32 v1, v4;
	_ =	sdelay $0x1  }
0x122: {  	v3 =	vadd.s32 v1, v3;
	_ =	sdelay $0x1  }
0x123: {  	s0 =	simm.s32 $0x3400  }
0x124: {  	[tilespmem:s0], [sflag:$0x1] =	stream.indirect_vreg.gather [hbm4b:s1+s4], $0x80, v4, vm0, $0xb8;
	[tilespmem:$0x18400] =	vst v63  }
0x125: {  	s9 =	simm.s32 $0x3C00  }
0x126: {  	[tilespmem:s9], [sflag:$0x1] =	stream.indirect_vreg.gather [hbm4b:s1+s4], $0x80, v3, vm0, $0xb8;
	[tilespmem:$0x18400] =	vst v63  }
0x127: {  	v3 =	vld [tilespmem:$0xC0];
	_ =	sdelay $0x4  }
0x128: {  	v20 =	vshll.u32 v3, $0x1  }
0x129: {  	v3 =	vand.u32 $0x7, v3;
	v4 =	vand.u32 $0xFFFFFFF0, v20  }
0x12a: {  	v3 =	vor.u32 v3, v4  }
0x12b: {  	v4 =	vperm.xlane v3, v0;
	_ =	sdelay $0x1  }
0x12c: {  	v3 =	vperm.xlane v3, v2;
	v4 =	vadd.s32 v1, v4;
	_ =	sdelay $0x1  }
0x12d: {  	v3 =	vadd.s32 v1, v3;
	_ =	sdelay $0x1  }
0x12e: {  	s2 =	simm.s32 $0x4400  }
0x12f: {  	[tilespmem:s2], [sflag:$0x1] =	stream.indirect_vreg.gather [hbm4b:s1+s4], $0x80, v4, vm0, $0xb8;
	[tilespmem:$0x18400] =	vst v63  }
0x130: {  	s10 =	simm.s32 $0x4C00  }
0x131: {  	[tilespmem:s10], [sflag:$0x1] =	stream.indirect_vreg.gather [hbm4b:s1+s4], $0x80, v3, vm0, $0xb8;
	[tilespmem:$0x18400] =	vst v63  }
0x132: {  	v3 =	vld [tilespmem:$0xD0];
	_ =	sdelay $0x4  }
0x133: {  	v21 =	vshll.u32 v3, $0x1  }
0x134: {  	v3 =	vand.u32 $0x7, v3;
	v4 =	vand.u32 $0xFFFFFFF0, v21  }
0x135: {  	v3 =	vor.u32 v3, v4  }
0x136: {  	v4 =	vperm.xlane v3, v0;
	_ =	sdelay $0x1  }
0x137: {  	v3 =	vperm.xlane v3, v2;
	v4 =	vadd.s32 v1, v4;
	_ =	sdelay $0x1  }
0x138: {  	v3 =	vadd.s32 v1, v3;
	_ =	sdelay $0x1  }
0x139: {  	s7 =	simm.s32 $0x5400  }
0x13a: {  	[tilespmem:s7], [sflag:$0x1] =	stream.indirect_vreg.gather [hbm4b:s1+s4], $0x80, v4, vm0, $0xb8;
	[tilespmem:$0x18400] =	vst v63  }
0x13b: {  	s11 =	simm.s32 $0x5C00  }
0x13c: {  	[tilespmem:s11], [sflag:$0x1] =	stream.indirect_vreg.gather [hbm4b:s1+s4], $0x80, v3, vm0, $0xb8;
	[tilespmem:$0x18400] =	vst v63  }
0x13d: {  	v3 =	vld [tilespmem:$0xE0];
	_ =	sdelay $0x4  }
0x13e: {  	v22 =	vshll.u32 v3, $0x1  }
0x13f: {  	v3 =	vand.u32 $0x7, v3;
	v4 =	vand.u32 $0xFFFFFFF0, v22  }
0x140: {  	v3 =	vor.u32 v3, v4  }
0x141: {  	v4 =	vperm.xlane v3, v0;
	_ =	sdelay $0x1  }
0x142: {  	v3 =	vperm.xlane v3, v2;
	v4 =	vadd.s32 v1, v4;
	_ =	sdelay $0x1  }
0x143: {  	v3 =	vadd.s32 v1, v3;
	_ =	sdelay $0x1  }
0x144: {  	s8 =	simm.s32 $0x6400  }
0x145: {  	[tilespmem:s8], [sflag:$0x1] =	stream.indirect_vreg.gather [hbm4b:s1+s4], $0x80, v4, vm0, $0xb8;
	[tilespmem:$0x18400] =	vst v63  }
0x146: {  	s12 =	simm.s32 $0x6C00  }
0x147: {  	[tilespmem:s12], [sflag:$0x1] =	stream.indirect_vreg.gather [hbm4b:s1+s4], $0x80, v3, vm0, $0xb8;
	[tilespmem:$0x18400] =	vst v63  }
0x148: {  	v3 =	vld [tilespmem:$0xF0];
	_ =	sdelay $0x4  }
0x149: {  	v23 =	vshll.u32 v3, $0x1  }
0x14a: {  	v3 =	vand.u32 $0x7, v3;
	v4 =	vand.u32 $0xFFFFFFF0, v23  }
0x14b: {  	v3 =	vor.u32 v3, v4  }
0x14c: {  	v4 =	vperm.xlane v3, v0;
	_ =	sdelay $0x1  }
0x14d: {  	v3 =	vperm.xlane v3, v2;
	v4 =	vadd.s32 v1, v4;
	_ =	sdelay $0x1  }
0x14e: {  	v3 =	vadd.s32 v1, v3;
	_ =	sdelay $0x1  }
0x14f: {  	s9 =	simm.s32 $0x7400  }
0x150: {  	[tilespmem:s9], [sflag:$0x1] =	stream.indirect_vreg.gather [hbm4b:s1+s4], $0x80, v4, vm0, $0xb8;
	[tilespmem:$0x18400] =	vst v63  }
0x151: {  	s30 =	simm.s32 $0x7C00  }
0x152: {  	[tilespmem:s30], [sflag:$0x1] =	stream.indirect_vreg.gather [hbm4b:s1+s4], $0x80, v3, vm0, $0xb8;
	[tilespmem:$0x18400] =	vst v63  }
0x153: {  	v3 =	vld [tilespmem:$0x280];
	_ =	sdelay $0x4  }
0x154: {  	v24 =	vshll.u32 v3, $0x1  }
0x155: {  	v3 =	vand.u32 $0x7, v3;
	v4 =	vand.u32 $0xFFFFFFF0, v24  }
0x156: {  	v3 =	vor.u32 v3, v4  }
0x157: {  	v4 =	vperm.xlane v3, v0;
	_ =	sdelay $0x1  }
0x158: {  	v3 =	vperm.xlane v3, v2;
	v4 =	vadd.s32 v1, v4;
	_ =	sdelay $0x1  }
0x159: {  	v3 =	vadd.s32 v1, v3;
	_ =	sdelay $0x2  }
0x15a: {  	[tilespmem:s25], [sflag:$0x2] =	stream.indirect_vreg.gather [hbm4b:s3+s4], $0x80, v4, vm0, $0xb8;
	[tilespmem:$0x18400] =	vst v63  }
0x15b: {  	s26 =	simm.s32 $0x8C00  }
0x15c: {  	[tilespmem:s26], [sflag:$0x2] =	stream.indirect_vreg.gather [hbm4b:s3+s4], $0x80, v3, vm0, $0xb8;
	[tilespmem:$0x18400] =	vst v63  }
0x15d: {  	v3 =	vld [tilespmem:$0x290];
	_ =	sdelay $0x4  }
0x15e: {  	v25 =	vshll.u32 v3, $0x1  }
0x15f: {  	v3 =	vand.u32 $0x7, v3;
	v4 =	vand.u32 $0xFFFFFFF0, v25  }
0x160: {  	v3 =	vor.u32 v3, v4  }
0x161: {  	v4 =	vperm.xlane v3, v0;
	_ =	sdelay $0x1  }
0x162: {  	v3 =	vperm.xlane v3, v2;
	v4 =	vadd.s32 v1, v4;
	_ =	sdelay $0x1  }
0x163: {  	v3 =	vadd.s32 v1, v3;
	_ =	sdelay $0x1  }
0x164: {  	s30 =	simm.s32 $0x9400  }
0x165: {  	[tilespmem:s30], [sflag:$0x2] =	stream.indirect_vreg.gather [hbm4b:s3+s4], $0x80, v4, vm0, $0xb8;
	[tilespmem:$0x18400] =	vst v63  }
0x166: {  	s26 =	simm.s32 $0x9C00  }
0x167: {  	[tilespmem:s26], [sflag:$0x2] =	stream.indirect_vreg.gather [hbm4b:s3+s4], $0x80, v3, vm0, $0xb8;
	[tilespmem:$0x18400] =	vst v63  }
0x168: {  	v3 =	vld [tilespmem:$0x2A0];
	_ =	sdelay $0x4  }
0x169: {  	v26 =	vshll.u32 v3, $0x1  }
0x16a: {  	v3 =	vand.u32 $0x7, v3;
	v4 =	vand.u32 $0xFFFFFFF0, v26  }
0x16b: {  	v3 =	vor.u32 v3, v4  }
0x16c: {  	v4 =	vperm.xlane v3, v0;
	_ =	sdelay $0x1  }
0x16d: {  	v3 =	vperm.xlane v3, v2;
	v4 =	vadd.s32 v1, v4;
	_ =	sdelay $0x1  }
0x16e: {  	v3 =	vadd.s32 v1, v3;
	_ =	sdelay $0x1  }
0x16f: {  	s26 =	simm.s32 $0xA400  }
0x170: {  	[tilespmem:s26], [sflag:$0x2] =	stream.indirect_vreg.gather [hbm4b:s3+s4], $0x80, v4, vm0, $0xb8;
	[tilespmem:$0x18400] =	vst v63  }
0x171: {  	s13 =	simm.s32 $0xAC00  }
0x172: {  	[tilespmem:s13], [sflag:$0x2] =	stream.indirect_vreg.gather [hbm4b:s3+s4], $0x80, v3, vm0, $0xb8;
	[tilespmem:$0x18400] =	vst v63  }
0x173: {  	v3 =	vld [tilespmem:$0x2B0];
	_ =	sdelay $0x4  }
0x174: {  	v27 =	vshll.u32 v3, $0x1  }
0x175: {  	v3 =	vand.u32 $0x7, v3;
	v4 =	vand.u32 $0xFFFFFFF0, v27  }
0x176: {  	v3 =	vor.u32 v3, v4  }
0x177: {  	v4 =	vperm.xlane v3, v0;
	_ =	sdelay $0x1  }
0x178: {  	v3 =	vperm.xlane v3, v2;
	v4 =	vadd.s32 v1, v4;
	_ =	sdelay $0x1  }
0x179: {  	v3 =	vadd.s32 v1, v3;
	_ =	sdelay $0x1  }
0x17a: {  	s24 =	simm.s32 $0xB400  }
0x17b: {  	[tilespmem:s24], [sflag:$0x2] =	stream.indirect_vreg.gather [hbm4b:s3+s4], $0x80, v4, vm0, $0xb8;
	[tilespmem:$0x18400] =	vst v63  }
0x17c: {  	s14 =	simm.s32 $0xBC00  }
0x17d: {  	[tilespmem:s14], [sflag:$0x2] =	stream.indirect_vreg.gather [hbm4b:s3+s4], $0x80, v3, vm0, $0xb8;
	[tilespmem:$0x18400] =	vst v63  }
0x17e: {  	v3 =	vld [tilespmem:$0x2C0];
	_ =	sdelay $0x4  }
0x17f: {  	v28 =	vshll.u32 v3, $0x1  }
0x180: {  	v3 =	vand.u32 $0x7, v3;
	v4 =	vand.u32 $0xFFFFFFF0, v28  }
0x181: {  	v3 =	vor.u32 v3, v4  }
0x182: {  	v4 =	vperm.xlane v3, v0;
	_ =	sdelay $0x1  }
0x183: {  	v3 =	vperm.xlane v3, v2;
	v4 =	vadd.s32 v1, v4;
	_ =	sdelay $0x1  }
0x184: {  	v3 =	vadd.s32 v1, v3;
	_ =	sdelay $0x1  }
0x185: {  	s26 =	simm.s32 $0xC400  }
0x186: {  	[tilespmem:s26], [sflag:$0x2] =	stream.indirect_vreg.gather [hbm4b:s3+s4], $0x80, v4, vm0, $0xb8;
	[tilespmem:$0x18400] =	vst v63  }
0x187: {  	s15 =	simm.s32 $0xCC00  }
0x188: {  	[tilespmem:s15], [sflag:$0x2] =	stream.indirect_vreg.gather [hbm4b:s3+s4], $0x80, v3, vm0, $0xb8;
	[tilespmem:$0x18400] =	vst v63  }
0x189: {  	v3 =	vld [tilespmem:$0x2D0];
	_ =	sdelay $0x4  }
0x18a: {  	v29 =	vshll.u32 v3, $0x1  }
0x18b: {  	v3 =	vand.u32 $0x7, v3;
	v4 =	vand.u32 $0xFFFFFFF0, v29  }
0x18c: {  	v3 =	vor.u32 v3, v4  }
0x18d: {  	v4 =	vperm.xlane v3, v0;
	_ =	sdelay $0x1  }
0x18e: {  	v3 =	vperm.xlane v3, v2;
	v4 =	vadd.s32 v1, v4;
	_ =	sdelay $0x1  }
0x18f: {  	v3 =	vadd.s32 v1, v3;
	_ =	sdelay $0x1  }
0x190: {  	s24 =	simm.s32 $0xD400  }
0x191: {  	[tilespmem:s24], [sflag:$0x2] =	stream.indirect_vreg.gather [hbm4b:s3+s4], $0x80, v4, vm0, $0xb8;
	[tilespmem:$0x18400] =	vst v63  }
0x192: {  	s16 =	simm.s32 $0xDC00  }
0x193: {  	[tilespmem:s16], [sflag:$0x2] =	stream.indirect_vreg.gather [hbm4b:s3+s4], $0x80, v3, vm0, $0xb8;
	[tilespmem:$0x18400] =	vst v63  }
0x194: {  	v3 =	vld [tilespmem:$0x2E0];
	_ =	sdelay $0x4  }
0x195: {  	v30 =	vshll.u32 v3, $0x1  }
0x196: {  	v3 =	vand.u32 $0x7, v3;
	v4 =	vand.u32 $0xFFFFFFF0, v30  }
0x197: {  	v3 =	vor.u32 v3, v4  }
0x198: {  	v4 =	vperm.xlane v3, v0;
	_ =	sdelay $0x1  }
0x199: {  	v3 =	vperm.xlane v3, v2;
	v4 =	vadd.s32 v1, v4;
	_ =	sdelay $0x1  }
0x19a: {  	v3 =	vadd.s32 v1, v3;
	_ =	sdelay $0x1  }
0x19b: {  	s26 =	simm.s32 $0xE400  }
0x19c: {  	[tilespmem:s26], [sflag:$0x2] =	stream.indirect_vreg.gather [hbm4b:s3+s4], $0x80, v4, vm0, $0xb8;
	[tilespmem:$0x18400] =	vst v63  }
0x19d: {  	s28 =	simm.s32 $0xEC00  }
0x19e: {  	[tilespmem:s28], [sflag:$0x2] =	stream.indirect_vreg.gather [hbm4b:s3+s4], $0x80, v3, vm0, $0xb8;
	[tilespmem:$0x18400] =	vst v63  }
0x19f: {  	v3 =	vld [tilespmem:$0x2F0];
	_ =	sdelay $0x4  }
0x1a0: {  	v31 =	vshll.u32 v3, $0x1  }
0x1a1: {  	v3 =	vand.u32 $0x7, v3;
	v4 =	vand.u32 $0xFFFFFFF0, v31  }
0x1a2: {  	v3 =	vor.u32 v3, v4  }
0x1a3: {  	v4 =	vperm.xlane v3, v0;
	_ =	sdelay $0x1  }
0x1a4: {  	v3 =	vperm.xlane v3, v2;
	v4 =	vadd.s32 v1, v4;
	_ =	sdelay $0x1  }
0x1a5: {  	v3 =	vadd.s32 v1, v3;
	_ =	sdelay $0x1  }
0x1a6: {  	s28 =	simm.s32 $0xF400  }
0x1a7: {  	[tilespmem:s28], [sflag:$0x2] =	stream.indirect_vreg.gather [hbm4b:s3+s4], $0x80, v4, vm0, $0xb8;
	[tilespmem:$0x18400] =	vst v63  }
0x1a8: {  	s31 =	simm.s32 $0xFC00  }
0x1a9: {  	[tilespmem:s31], [sflag:$0x2] =	stream.indirect_vreg.gather [hbm4b:s3+s4], $0x80, v3, vm0, $0xb8;
	[tilespmem:$0x18400] =	vst v63  }
0x1aa: {  	_ = 	snop  }
0x1ab: {  	[tilespmem:s18], [sflag:$0x3] =	stream.indirect.gather [hbm4b:s5+s17], $0x80, s17, s17, $0xb8;
	[tilespmem:$0x18400] =	vst v63  }
0x1ac: {  	s31 =	rddreg [dreg:$0x18]  }
0x1ad: {  	[tilespmem:s19], [sflag:$0x4] =	stream.indirect.gather [hbm4b:s5+s17], $0x80, s31, s17, $0xb8;
	[tilespmem:$0x18400] =	vst v63  }
0x1ae: {  	_ =	swait.ge [sflag:s20], $0x8000  }
0x1af: {  	[sflag:s20] =	ssyncset.done $0x0  }
0x1b0: {  	[sflag:s20] =	ssyncadd.s32 $0xFFFF8000  }
0x1b1: {  	_ =	swait.ge [sflag:s21], $0x8000  }
0x1b2: {  	[sflag:s21] =	ssyncset.done $0x0  }
0x1b3: {  	[sflag:s21] =	ssyncadd.s32 $0xFFFF8000  }
0x1b4: {  	_ =	swait.ge [sflag:s22], $0x4000  }
0x1b5: {  	[sflag:s22] =	ssyncset.done $0x0  }
0x1b6: {  	[sflag:s22] =	ssyncadd.s32 $0xFFFFC000  }
0x1b7: {  	_ =	swait.ge [sflag:s23], $0x4000  }
0x1b8: {  	[sflag:s23] =	ssyncset.done $0x0  }
0x1b9: {  	s26 =	rddreg [dreg:$0xc];
	[sflag:s23] =	ssyncadd.s32 $0xFFFFC000  }
0x1ba: {  	[hbm4b:s26+s4] =	stream.linear.scatter [tilespmem:s29], [sflag:$0x1], $0x8000, $0x38;
	[tilespmem:$0x18400] =	vst v63  }
0x1bb: {  	s31 =	rddreg [dreg:$0xd]  }
0x1bc: {  	[hbm4b:s31+s4] =	stream.linear.scatter [tilespmem:s25], [sflag:$0x2], $0x8000, $0x38;
	[tilespmem:$0x18400] =	vst v63  }
0x1bd: {  	s24 =	rddreg [dreg:$0xe]  }
0x1be: {  	[hbm4b:s24+s4] =	stream.linear.scatter [tilespmem:s18], [sflag:$0x3], $0x4000, $0x38;
	[tilespmem:$0x18400] =	vst v63  }
0x1bf: {  	s31 =	rddreg [dreg:$0xf]  }
0x1c0: {  	[hbm4b:s31+s4] =	stream.linear.scatter [tilespmem:s19], [sflag:$0x4], $0x4000, $0x38;
	[tilespmem:$0x18400] =	vst v63  }
0x1c1: {  	_ =	swait.ge [sflag:s20], $0x8000  }
0x1c2: {  	[sflag:s20] =	ssyncset.done $0x0  }
0x1c3: {  	[sflag:s20] =	ssyncadd.s32 $0xFFFF8000  }
0x1c4: {  	_ =	swait.ge [sflag:s21], $0x8000  }
0x1c5: {  	[sflag:s21] =	ssyncset.done $0x0  }
0x1c6: {  	[sflag:s21] =	ssyncadd.s32 $0xFFFF8000  }
0x1c7: {  	_ =	swait.ge [sflag:s22], $0x4000  }
0x1c8: {  	[sflag:s22] =	ssyncset.done $0x0  }
0x1c9: {  	[sflag:s22] =	ssyncadd.s32 $0xFFFFC000  }
0x1ca: {  	_ =	swait.ge [sflag:s23], $0x4000  }
0x1cb: {  	[sflag:s23] =	ssyncset.done $0x0  }
0x1cc: {  	[sflag:s23] =	ssyncadd.s32 $0xFFFFC000  }
0x1cd: {  	v3 =	vld [tilespmem:$0x100];
	_ =	sdelay $0x4  }
0x1ce: {  	v32 =	vshll.u32 v3, $0x1  }
0x1cf: {  	v3 =	vand.u32 $0x7, v3;
	v4 =	vand.u32 $0xFFFFFFF0, v32  }
0x1d0: {  	v3 =	vor.u32 v3, v4  }
0x1d1: {  	v4 =	vperm.xlane v3, v0;
	_ =	sdelay $0x1  }
0x1d2: {  	v3 =	vperm.xlane v3, v2;
	v4 =	vadd.s32 v1, v4;
	_ =	sdelay $0x1  }
0x1d3: {  	v3 =	vadd.s32 v1, v3;
	_ =	sdelay $0x2  }
0x1d4: {  	[tilespmem:s29], [sflag:$0x1] =	stream.indirect_vreg.gather [hbm4b:s1+s4], $0x80, v4, vm0, $0xb8;
	[tilespmem:$0x18400] =	vst v63  }
0x1d5: {  	s26 =	simm.s32 $0xC00  }
0x1d6: {  	[tilespmem:s26], [sflag:$0x1] =	stream.indirect_vreg.gather [hbm4b:s1+s4], $0x80, v3, vm0, $0xb8;
	[tilespmem:$0x18400] =	vst v63  }
0x1d7: {  	v3 =	vld [tilespmem:$0x110];
	_ =	sdelay $0x4  }
0x1d8: {  	v33 =	vshll.u32 v3, $0x1  }
0x1d9: {  	v3 =	vand.u32 $0x7, v3;
	v4 =	vand.u32 $0xFFFFFFF0, v33  }
0x1da: {  	v3 =	vor.u32 v3, v4  }
0x1db: {  	v4 =	vperm.xlane v3, v0;
	_ =	sdelay $0x1  }
0x1dc: {  	v3 =	vperm.xlane v3, v2;
	v4 =	vadd.s32 v1, v4;
	_ =	sdelay $0x1  }
0x1dd: {  	v3 =	vadd.s32 v1, v3;
	_ =	sdelay $0x1  }
0x1de: {  	s31 =	simm.s32 $0x1400  }
0x1df: {  	[tilespmem:s31], [sflag:$0x1] =	stream.indirect_vreg.gather [hbm4b:s1+s4], $0x80, v4, vm0, $0xb8;
	[tilespmem:$0x18400] =	vst v63  }
0x1e0: {  	s26 =	simm.s32 $0x1C00  }
0x1e1: {  	[tilespmem:s26], [sflag:$0x1] =	stream.indirect_vreg.gather [hbm4b:s1+s4], $0x80, v3, vm0, $0xb8;
	[tilespmem:$0x18400] =	vst v63  }
0x1e2: {  	v3 =	vld [tilespmem:$0x120];
	_ =	sdelay $0x4  }
0x1e3: {  	v34 =	vshll.u32 v3, $0x1  }
0x1e4: {  	v3 =	vand.u32 $0x7, v3;
	v4 =	vand.u32 $0xFFFFFFF0, v34  }
0x1e5: {  	v3 =	vor.u32 v3, v4  }
0x1e6: {  	v4 =	vperm.xlane v3, v0;
	_ =	sdelay $0x1  }
0x1e7: {  	v3 =	vperm.xlane v3, v2;
	v4 =	vadd.s32 v1, v4;
	_ =	sdelay $0x1  }
0x1e8: {  	v3 =	vadd.s32 v1, v3;
	_ =	sdelay $0x1  }
0x1e9: {  	s31 =	simm.s32 $0x2400  }
0x1ea: {  	[tilespmem:s31], [sflag:$0x1] =	stream.indirect_vreg.gather [hbm4b:s1+s4], $0x80, v4, vm0, $0xb8;
	[tilespmem:$0x18400] =	vst v63  }
0x1eb: {  	s26 =	simm.s32 $0x2C00  }
0x1ec: {  	[tilespmem:s26], [sflag:$0x1] =	stream.indirect_vreg.gather [hbm4b:s1+s4], $0x80, v3, vm0, $0xb8;
	[tilespmem:$0x18400] =	vst v63  }
0x1ed: {  	v3 =	vld [tilespmem:$0x130];
	_ =	sdelay $0x4  }
0x1ee: {  	v35 =	vshll.u32 v3, $0x1  }
0x1ef: {  	v3 =	vand.u32 $0x7, v3;
	v4 =	vand.u32 $0xFFFFFFF0, v35  }
0x1f0: {  	v3 =	vor.u32 v3, v4  }
0x1f1: {  	v4 =	vperm.xlane v3, v0;
	_ =	sdelay $0x1  }
0x1f2: {  	v3 =	vperm.xlane v3, v2;
	v4 =	vadd.s32 v1, v4;
	_ =	sdelay $0x1  }
0x1f3: {  	v3 =	vadd.s32 v1, v3;
	_ =	sdelay $0x2  }
0x1f4: {  	[tilespmem:s0], [sflag:$0x1] =	stream.indirect_vreg.gather [hbm4b:s1+s4], $0x80, v4, vm0, $0xb8;
	[tilespmem:$0x18400] =	vst v63  }
0x1f5: {  	s31 =	simm.s32 $0x3C00  }
0x1f6: {  	[tilespmem:s31], [sflag:$0x1] =	stream.indirect_vreg.gather [hbm4b:s1+s4], $0x80, v3, vm0, $0xb8;
	[tilespmem:$0x18400] =	vst v63  }
0x1f7: {  	v3 =	vld [tilespmem:$0x140];
	_ =	sdelay $0x4  }
0x1f8: {  	v36 =	vshll.u32 v3, $0x1  }
0x1f9: {  	v3 =	vand.u32 $0x7, v3;
	v4 =	vand.u32 $0xFFFFFFF0, v36  }
0x1fa: {  	v3 =	vor.u32 v3, v4  }
0x1fb: {  	v4 =	vperm.xlane v3, v0;
	_ =	sdelay $0x1  }
0x1fc: {  	v3 =	vperm.xlane v3, v2;
	v4 =	vadd.s32 v1, v4;
	_ =	sdelay $0x1  }
0x1fd: {  	v3 =	vadd.s32 v1, v3;
	_ =	sdelay $0x2  }
0x1fe: {  	[tilespmem:s2], [sflag:$0x1] =	stream.indirect_vreg.gather [hbm4b:s1+s4], $0x80, v4, vm0, $0xb8;
	[tilespmem:$0x18400] =	vst v63  }
0x1ff: {  	_ = 	snop  }
0x200: {  	[tilespmem:s10], [sflag:$0x1] =	stream.indirect_vreg.gather [hbm4b:s1+s4], $0x80, v3, vm0, $0xb8;
	[tilespmem:$0x18400] =	vst v63  }
0x201: {  	v3 =	vld [tilespmem:$0x150];
	_ =	sdelay $0x4  }
0x202: {  	v37 =	vshll.u32 v3, $0x1  }
0x203: {  	v3 =	vand.u32 $0x7, v3;
	v4 =	vand.u32 $0xFFFFFFF0, v37  }
0x204: {  	v3 =	vor.u32 v3, v4  }
0x205: {  	v4 =	vperm.xlane v3, v0;
	_ =	sdelay $0x1  }
0x206: {  	v3 =	vperm.xlane v3, v2;
	v4 =	vadd.s32 v1, v4;
	_ =	sdelay $0x1  }
0x207: {  	v3 =	vadd.s32 v1, v3;
	_ =	sdelay $0x2  }
0x208: {  	[tilespmem:s7], [sflag:$0x1] =	stream.indirect_vreg.gather [hbm4b:s1+s4], $0x80, v4, vm0, $0xb8;
	[tilespmem:$0x18400] =	vst v63  }
0x209: {  	_ = 	snop  }
0x20a: {  	[tilespmem:s11], [sflag:$0x1] =	stream.indirect_vreg.gather [hbm4b:s1+s4], $0x80, v3, vm0, $0xb8;
	[tilespmem:$0x18400] =	vst v63  }
0x20b: {  	v3 =	vld [tilespmem:$0x160];
	_ =	sdelay $0x4  }
0x20c: {  	v38 =	vshll.u32 v3, $0x1  }
0x20d: {  	v3 =	vand.u32 $0x7, v3;
	v4 =	vand.u32 $0xFFFFFFF0, v38  }
0x20e: {  	v3 =	vor.u32 v3, v4  }
0x20f: {  	v4 =	vperm.xlane v3, v0;
	_ =	sdelay $0x1  }
0x210: {  	v3 =	vperm.xlane v3, v2;
	v4 =	vadd.s32 v1, v4;
	_ =	sdelay $0x1  }
0x211: {  	v3 =	vadd.s32 v1, v3;
	_ =	sdelay $0x2  }
0x212: {  	[tilespmem:s8], [sflag:$0x1] =	stream.indirect_vreg.gather [hbm4b:s1+s4], $0x80, v4, vm0, $0xb8;
	[tilespmem:$0x18400] =	vst v63  }
0x213: {  	_ = 	snop  }
0x214: {  	[tilespmem:s12], [sflag:$0x1] =	stream.indirect_vreg.gather [hbm4b:s1+s4], $0x80, v3, vm0, $0xb8;
	[tilespmem:$0x18400] =	vst v63  }
0x215: {  	v3 =	vld [tilespmem:$0x170];
	_ =	sdelay $0x4  }
0x216: {  	v39 =	vshll.u32 v3, $0x1  }
0x217: {  	v3 =	vand.u32 $0x7, v3;
	v4 =	vand.u32 $0xFFFFFFF0, v39  }
0x218: {  	v3 =	vor.u32 v3, v4  }
0x219: {  	v4 =	vperm.xlane v3, v0;
	_ =	sdelay $0x1  }
0x21a: {  	v3 =	vperm.xlane v3, v2;
	v4 =	vadd.s32 v1, v4;
	_ =	sdelay $0x1  }
0x21b: {  	v3 =	vadd.s32 v1, v3;
	_ =	sdelay $0x2  }
0x21c: {  	[tilespmem:s9], [sflag:$0x1] =	stream.indirect_vreg.gather [hbm4b:s1+s4], $0x80, v4, vm0, $0xb8;
	[tilespmem:$0x18400] =	vst v63  }
0x21d: {  	s24 =	simm.s32 $0x7C00  }
0x21e: {  	[tilespmem:s24], [sflag:$0x1] =	stream.indirect_vreg.gather [hbm4b:s1+s4], $0x80, v3, vm0, $0xb8;
	[tilespmem:$0x18400] =	vst v63  }
0x21f: {  	v3 =	vld [tilespmem:$0x300];
	_ =	sdelay $0x4  }
0x220: {  	v40 =	vshll.u32 v3, $0x1  }
0x221: {  	v3 =	vand.u32 $0x7, v3;
	v4 =	vand.u32 $0xFFFFFFF0, v40  }
0x222: {  	v3 =	vor.u32 v3, v4  }
0x223: {  	v4 =	vperm.xlane v3, v0;
	_ =	sdelay $0x1  }
0x224: {  	v3 =	vperm.xlane v3, v2;
	v4 =	vadd.s32 v1, v4;
	_ =	sdelay $0x1  }
0x225: {  	v3 =	vadd.s32 v1, v3;
	_ =	sdelay $0x2  }
0x226: {  	[tilespmem:s25], [sflag:$0x2] =	stream.indirect_vreg.gather [hbm4b:s3+s4], $0x80, v4, vm0, $0xb8;
	[tilespmem:$0x18400] =	vst v63  }
0x227: {  	s26 =	simm.s32 $0x8C00  }
0x228: {  	[tilespmem:s26], [sflag:$0x2] =	stream.indirect_vreg.gather [hbm4b:s3+s4], $0x80, v3, vm0, $0xb8;
	[tilespmem:$0x18400] =	vst v63  }
0x229: {  	v3 =	vld [tilespmem:$0x310];
	_ =	sdelay $0x4  }
0x22a: {  	v41 =	vshll.u32 v3, $0x1  }
0x22b: {  	v3 =	vand.u32 $0x7, v3;
	v4 =	vand.u32 $0xFFFFFFF0, v41  }
0x22c: {  	v3 =	vor.u32 v3, v4  }
0x22d: {  	v4 =	vperm.xlane v3, v0;
	_ =	sdelay $0x1  }
0x22e: {  	v3 =	vperm.xlane v3, v2;
	v4 =	vadd.s32 v1, v4;
	_ =	sdelay $0x1  }
0x22f: {  	v3 =	vadd.s32 v1, v3;
	_ =	sdelay $0x1  }
0x230: {  	s30 =	simm.s32 $0x9400  }
0x231: {  	[tilespmem:s30], [sflag:$0x2] =	stream.indirect_vreg.gather [hbm4b:s3+s4], $0x80, v4, vm0, $0xb8;
	[tilespmem:$0x18400] =	vst v63  }
0x232: {  	s30 =	simm.s32 $0x9C00  }
0x233: {  	[tilespmem:s30], [sflag:$0x2] =	stream.indirect_vreg.gather [hbm4b:s3+s4], $0x80, v3, vm0, $0xb8;
	[tilespmem:$0x18400] =	vst v63  }
0x234: {  	v3 =	vld [tilespmem:$0x320];
	_ =	sdelay $0x4  }
0x235: {  	v42 =	vshll.u32 v3, $0x1  }
0x236: {  	v3 =	vand.u32 $0x7, v3;
	v4 =	vand.u32 $0xFFFFFFF0, v42  }
0x237: {  	v3 =	vor.u32 v3, v4  }
0x238: {  	v4 =	vperm.xlane v3, v0;
	_ =	sdelay $0x1  }
0x239: {  	v3 =	vperm.xlane v3, v2;
	v4 =	vadd.s32 v1, v4;
	_ =	sdelay $0x1  }
0x23a: {  	v3 =	vadd.s32 v1, v3;
	_ =	sdelay $0x1  }
0x23b: {  	s24 =	simm.s32 $0xA400  }
0x23c: {  	[tilespmem:s24], [sflag:$0x2] =	stream.indirect_vreg.gather [hbm4b:s3+s4], $0x80, v4, vm0, $0xb8;
	[tilespmem:$0x18400] =	vst v63  }
0x23d: {  	s26 =	simm.s32 $0xAC00  }
0x23e: {  	[tilespmem:s26], [sflag:$0x2] =	stream.indirect_vreg.gather [hbm4b:s3+s4], $0x80, v3, vm0, $0xb8;
	[tilespmem:$0x18400] =	vst v63  }
0x23f: {  	v3 =	vld [tilespmem:$0x330];
	_ =	sdelay $0x4  }
0x240: {  	v43 =	vshll.u32 v3, $0x1  }
0x241: {  	v3 =	vand.u32 $0x7, v3;
	v4 =	vand.u32 $0xFFFFFFF0, v43  }
0x242: {  	v3 =	vor.u32 v3, v4  }
0x243: {  	v4 =	vperm.xlane v3, v0;
	_ =	sdelay $0x1  }
0x244: {  	v3 =	vperm.xlane v3, v2;
	v4 =	vadd.s32 v1, v4;
	_ =	sdelay $0x1  }
0x245: {  	v3 =	vadd.s32 v1, v3;
	_ =	sdelay $0x1  }
0x246: {  	s13 =	simm.s32 $0xB400  }
0x247: {  	[tilespmem:s13], [sflag:$0x2] =	stream.indirect_vreg.gather [hbm4b:s3+s4], $0x80, v4, vm0, $0xb8;
	[tilespmem:$0x18400] =	vst v63  }
0x248: {  	s13 =	simm.s32 $0xBC00  }
0x249: {  	[tilespmem:s13], [sflag:$0x2] =	stream.indirect_vreg.gather [hbm4b:s3+s4], $0x80, v3, vm0, $0xb8;
	[tilespmem:$0x18400] =	vst v63  }
0x24a: {  	v3 =	vld [tilespmem:$0x340];
	_ =	sdelay $0x4  }
0x24b: {  	v44 =	vshll.u32 v3, $0x1  }
0x24c: {  	v3 =	vand.u32 $0x7, v3;
	v4 =	vand.u32 $0xFFFFFFF0, v44  }
0x24d: {  	v3 =	vor.u32 v3, v4  }
0x24e: {  	v4 =	vperm.xlane v3, v0;
	_ =	sdelay $0x1  }
0x24f: {  	v3 =	vperm.xlane v3, v2;
	v4 =	vadd.s32 v1, v4;
	_ =	sdelay $0x1  }
0x250: {  	v3 =	vadd.s32 v1, v3;
	_ =	sdelay $0x1  }
0x251: {  	s14 =	simm.s32 $0xC400  }
0x252: {  	[tilespmem:s14], [sflag:$0x2] =	stream.indirect_vreg.gather [hbm4b:s3+s4], $0x80, v4, vm0, $0xb8;
	[tilespmem:$0x18400] =	vst v63  }
0x253: {  	s14 =	simm.s32 $0xCC00  }
0x254: {  	[tilespmem:s14], [sflag:$0x2] =	stream.indirect_vreg.gather [hbm4b:s3+s4], $0x80, v3, vm0, $0xb8;
	[tilespmem:$0x18400] =	vst v63  }
0x255: {  	v3 =	vld [tilespmem:$0x350];
	_ =	sdelay $0x4  }
0x256: {  	v45 =	vshll.u32 v3, $0x1  }
0x257: {  	v3 =	vand.u32 $0x7, v3;
	v4 =	vand.u32 $0xFFFFFFF0, v45  }
0x258: {  	v3 =	vor.u32 v3, v4  }
0x259: {  	v4 =	vperm.xlane v3, v0;
	_ =	sdelay $0x1  }
0x25a: {  	v3 =	vperm.xlane v3, v2;
	v4 =	vadd.s32 v1, v4;
	_ =	sdelay $0x1  }
0x25b: {  	v3 =	vadd.s32 v1, v3;
	_ =	sdelay $0x1  }
0x25c: {  	s15 =	simm.s32 $0xD400  }
0x25d: {  	[tilespmem:s15], [sflag:$0x2] =	stream.indirect_vreg.gather [hbm4b:s3+s4], $0x80, v4, vm0, $0xb8;
	[tilespmem:$0x18400] =	vst v63  }
0x25e: {  	s15 =	simm.s32 $0xDC00  }
0x25f: {  	[tilespmem:s15], [sflag:$0x2] =	stream.indirect_vreg.gather [hbm4b:s3+s4], $0x80, v3, vm0, $0xb8;
	[tilespmem:$0x18400] =	vst v63  }
0x260: {  	v3 =	vld [tilespmem:$0x360];
	_ =	sdelay $0x4  }
0x261: {  	v46 =	vshll.u32 v3, $0x1  }
0x262: {  	v3 =	vand.u32 $0x7, v3;
	v4 =	vand.u32 $0xFFFFFFF0, v46  }
0x263: {  	v3 =	vor.u32 v3, v4  }
0x264: {  	v4 =	vperm.xlane v3, v0;
	_ =	sdelay $0x1  }
0x265: {  	v3 =	vperm.xlane v3, v2;
	v4 =	vadd.s32 v1, v4;
	_ =	sdelay $0x1  }
0x266: {  	v3 =	vadd.s32 v1, v3;
	_ =	sdelay $0x1  }
0x267: {  	s16 =	simm.s32 $0xE400  }
0x268: {  	[tilespmem:s16], [sflag:$0x2] =	stream.indirect_vreg.gather [hbm4b:s3+s4], $0x80, v4, vm0, $0xb8;
	[tilespmem:$0x18400] =	vst v63  }
0x269: {  	s24 =	simm.s32 $0xEC00  }
0x26a: {  	[tilespmem:s24], [sflag:$0x2] =	stream.indirect_vreg.gather [hbm4b:s3+s4], $0x80, v3, vm0, $0xb8;
	[tilespmem:$0x18400] =	vst v63  }
0x26b: {  	v3 =	vld [tilespmem:$0x370];
	_ =	sdelay $0x4  }
0x26c: {  	v47 =	vshll.u32 v3, $0x1  }
0x26d: {  	v3 =	vand.u32 $0x7, v3;
	v4 =	vand.u32 $0xFFFFFFF0, v47  }
0x26e: {  	v3 =	vor.u32 v3, v4  }
0x26f: {  	v4 =	vperm.xlane v3, v0;
	_ =	sdelay $0x1  }
0x270: {  	v3 =	vperm.xlane v3, v2;
	v4 =	vadd.s32 v1, v4;
	_ =	sdelay $0x1  }
0x271: {  	v3 =	vadd.s32 v1, v3;
	_ =	sdelay $0x1  }
0x272: {  	s28 =	simm.s32 $0xF400  }
0x273: {  	[tilespmem:s28], [sflag:$0x2] =	stream.indirect_vreg.gather [hbm4b:s3+s4], $0x80, v4, vm0, $0xb8;
	[tilespmem:$0x18400] =	vst v63  }
0x274: {  	s26 =	simm.s32 $0xFC00  }
0x275: {  	[tilespmem:s26], [sflag:$0x2] =	stream.indirect_vreg.gather [hbm4b:s3+s4], $0x80, v3, vm0, $0xb8;
	[tilespmem:$0x18400] =	vst v63  }
0x276: {  	s24 =	rddreg [dreg:$0x19]  }
0x277: {  	[tilespmem:s18], [sflag:$0x3] =	stream.indirect.gather [hbm4b:s5+s17], $0x80, s24, s17, $0xb8;
	[tilespmem:$0x18400] =	vst v63  }
0x278: {  	s28 =	rddreg [dreg:$0x1a]  }
0x279: {  	[tilespmem:s19], [sflag:$0x4] =	stream.indirect.gather [hbm4b:s5+s17], $0x80, s28, s17, $0xb8;
	[tilespmem:$0x18400] =	vst v63  }
0x27a: {  	_ =	swait.ge [sflag:s20], $0x8000  }
0x27b: {  	[sflag:s20] =	ssyncset.done $0x0  }
0x27c: {  	[sflag:s20] =	ssyncadd.s32 $0xFFFF8000  }
0x27d: {  	_ =	swait.ge [sflag:s21], $0x8000  }
0x27e: {  	[sflag:s21] =	ssyncset.done $0x0  }
0x27f: {  	[sflag:s21] =	ssyncadd.s32 $0xFFFF8000  }
0x280: {  	_ =	swait.ge [sflag:s22], $0x4000  }
0x281: {  	[sflag:s22] =	ssyncset.done $0x0  }
0x282: {  	[sflag:s22] =	ssyncadd.s32 $0xFFFFC000  }
0x283: {  	_ =	swait.ge [sflag:s23], $0x4000  }
0x284: {  	[sflag:s23] =	ssyncset.done $0x0  }
0x285: {  	s26 =	rddreg [dreg:$0x10];
	[sflag:s23] =	ssyncadd.s32 $0xFFFFC000  }
0x286: {  	[hbm4b:s26+s4] =	stream.linear.scatter [tilespmem:s29], [sflag:$0x1], $0x8000, $0x38;
	[tilespmem:$0x18400] =	vst v63  }
0x287: {  	s28 =	rddreg [dreg:$0x11]  }
0x288: {  	[hbm4b:s28+s4] =	stream.linear.scatter [tilespmem:s25], [sflag:$0x2], $0x8000, $0x38;
	[tilespmem:$0x18400] =	vst v63  }
0x289: {  	s24 =	rddreg [dreg:$0x12]  }
0x28a: {  	[hbm4b:s24+s4] =	stream.linear.scatter [tilespmem:s18], [sflag:$0x3], $0x4000, $0x38;
	[tilespmem:$0x18400] =	vst v63  }
0x28b: {  	s28 =	rddreg [dreg:$0x13]  }
0x28c: {  	[hbm4b:s28+s4] =	stream.linear.scatter [tilespmem:s19], [sflag:$0x4], $0x4000, $0x38;
	[tilespmem:$0x18400] =	vst v63  }
0x28d: {  	_ =	swait.ge [sflag:s20], $0x8000  }
0x28e: {  	[sflag:s20] =	ssyncset.done $0x0  }
0x28f: {  	[sflag:s20] =	ssyncadd.s32 $0xFFFF8000  }
0x290: {  	_ =	swait.ge [sflag:s21], $0x8000  }
0x291: {  	[sflag:s21] =	ssyncset.done $0x0  }
0x292: {  	[sflag:s21] =	ssyncadd.s32 $0xFFFF8000  }
0x293: {  	_ =	swait.ge [sflag:s22], $0x4000  }
0x294: {  	[sflag:s22] =	ssyncset.done $0x0  }
0x295: {  	[sflag:s22] =	ssyncadd.s32 $0xFFFFC000  }
0x296: {  	_ =	swait.ge [sflag:s23], $0x4000  }
0x297: {  	[sflag:s23] =	ssyncset.done $0x0  }
0x298: {  	[sflag:s23] =	ssyncadd.s32 $0xFFFFC000  }
0x299: {  	v3 =	vld [tilespmem:$0x180];
	_ =	sdelay $0x4  }
0x29a: {  	v48 =	vshll.u32 v3, $0x1  }
0x29b: {  	v3 =	vand.u32 $0x7, v3;
	v4 =	vand.u32 $0xFFFFFFF0, v48  }
0x29c: {  	v3 =	vor.u32 v3, v4  }
0x29d: {  	v4 =	vperm.xlane v3, v0;
	_ =	sdelay $0x1  }
0x29e: {  	v3 =	vperm.xlane v3, v2;
	v4 =	vadd.s32 v1, v4;
	_ =	sdelay $0x1  }
0x29f: {  	v3 =	vadd.s32 v1, v3;
	_ =	sdelay $0x2  }
0x2a0: {  	[tilespmem:s29], [sflag:$0x1] =	stream.indirect_vreg.gather [hbm4b:s1+s4], $0x80, v4, vm0, $0xb8;
	[tilespmem:$0x18400] =	vst v63  }
0x2a1: {  	s28 =	simm.s32 $0xC00  }
0x2a2: {  	[tilespmem:s28], [sflag:$0x1] =	stream.indirect_vreg.gather [hbm4b:s1+s4], $0x80, v3, vm0, $0xb8;
	[tilespmem:$0x18400] =	vst v63  }
0x2a3: {  	v3 =	vld [tilespmem:$0x190];
	_ =	sdelay $0x4  }
0x2a4: {  	v49 =	vshll.u32 v3, $0x1  }
0x2a5: {  	v3 =	vand.u32 $0x7, v3;
	v4 =	vand.u32 $0xFFFFFFF0, v49  }
0x2a6: {  	v3 =	vor.u32 v3, v4  }
0x2a7: {  	v4 =	vperm.xlane v3, v0;
	_ =	sdelay $0x1  }
0x2a8: {  	v3 =	vperm.xlane v3, v2;
	v4 =	vadd.s32 v1, v4;
	_ =	sdelay $0x1  }
0x2a9: {  	v3 =	vadd.s32 v1, v3;
	_ =	sdelay $0x1  }
0x2aa: {  	s26 =	simm.s32 $0x1400  }
0x2ab: {  	[tilespmem:s26], [sflag:$0x1] =	stream.indirect_vreg.gather [hbm4b:s1+s4], $0x80, v4, vm0, $0xb8;
	[tilespmem:$0x18400] =	vst v63  }
0x2ac: {  	s28 =	simm.s32 $0x1C00  }
0x2ad: {  	[tilespmem:s28], [sflag:$0x1] =	stream.indirect_vreg.gather [hbm4b:s1+s4], $0x80, v3, vm0, $0xb8;
	[tilespmem:$0x18400] =	vst v63  }
0x2ae: {  	v3 =	vld [tilespmem:$0x1A0];
	_ =	sdelay $0x4  }
0x2af: {  	v50 =	vshll.u32 v3, $0x1  }
0x2b0: {  	v3 =	vand.u32 $0x7, v3;
	v4 =	vand.u32 $0xFFFFFFF0, v50  }
0x2b1: {  	v3 =	vor.u32 v3, v4  }
0x2b2: {  	v4 =	vperm.xlane v3, v0;
	_ =	sdelay $0x1  }
0x2b3: {  	v3 =	vperm.xlane v3, v2;
	v4 =	vadd.s32 v1, v4;
	_ =	sdelay $0x1  }
0x2b4: {  	v3 =	vadd.s32 v1, v3;
	_ =	sdelay $0x1  }
0x2b5: {  	s26 =	simm.s32 $0x2400  }
0x2b6: {  	[tilespmem:s26], [sflag:$0x1] =	stream.indirect_vreg.gather [hbm4b:s1+s4], $0x80, v4, vm0, $0xb8;
	[tilespmem:$0x18400] =	vst v63  }
0x2b7: {  	s28 =	simm.s32 $0x2C00  }
0x2b8: {  	[tilespmem:s28], [sflag:$0x1] =	stream.indirect_vreg.gather [hbm4b:s1+s4], $0x80, v3, vm0, $0xb8;
	[tilespmem:$0x18400] =	vst v63  }
0x2b9: {  	v3 =	vld [tilespmem:$0x1B0];
	_ =	sdelay $0x4  }
0x2ba: {  	v51 =	vshll.u32 v3, $0x1  }
0x2bb: {  	v3 =	vand.u32 $0x7, v3;
	v4 =	vand.u32 $0xFFFFFFF0, v51  }
0x2bc: {  	v3 =	vor.u32 v3, v4  }
0x2bd: {  	v4 =	vperm.xlane v3, v0;
	_ =	sdelay $0x1  }
0x2be: {  	v3 =	vperm.xlane v3, v2;
	v4 =	vadd.s32 v1, v4;
	_ =	sdelay $0x1  }
0x2bf: {  	v3 =	vadd.s32 v1, v3;
	_ =	sdelay $0x1  }
0x2c0: {  	s0 =	simm.s32 $0x3400  }
0x2c1: {  	[tilespmem:s0], [sflag:$0x1] =	stream.indirect_vreg.gather [hbm4b:s1+s4], $0x80, v4, vm0, $0xb8;
	[tilespmem:$0x18400] =	vst v63  }
0x2c2: {  	s26 =	simm.s32 $0x3C00  }
0x2c3: {  	[tilespmem:s26], [sflag:$0x1] =	stream.indirect_vreg.gather [hbm4b:s1+s4], $0x80, v3, vm0, $0xb8;
	[tilespmem:$0x18400] =	vst v63  }
0x2c4: {  	v3 =	vld [tilespmem:$0x1C0];
	_ =	sdelay $0x4  }
0x2c5: {  	v52 =	vshll.u32 v3, $0x1  }
0x2c6: {  	v3 =	vand.u32 $0x7, v3;
	v4 =	vand.u32 $0xFFFFFFF0, v52  }
0x2c7: {  	v3 =	vor.u32 v3, v4  }
0x2c8: {  	v4 =	vperm.xlane v3, v0;
	_ =	sdelay $0x1  }
0x2c9: {  	v3 =	vperm.xlane v3, v2;
	v4 =	vadd.s32 v1, v4;
	_ =	sdelay $0x1  }
0x2ca: {  	v3 =	vadd.s32 v1, v3;
	_ =	sdelay $0x1  }
0x2cb: {  	s2 =	simm.s32 $0x4400  }
0x2cc: {  	[tilespmem:s2], [sflag:$0x1] =	stream.indirect_vreg.gather [hbm4b:s1+s4], $0x80, v4, vm0, $0xb8;
	[tilespmem:$0x18400] =	vst v63  }
0x2cd: {  	s28 =	simm.s32 $0x4C00  }
0x2ce: {  	[tilespmem:s28], [sflag:$0x1] =	stream.indirect_vreg.gather [hbm4b:s1+s4], $0x80, v3, vm0, $0xb8;
	[tilespmem:$0x18400] =	vst v63  }
0x2cf: {  	v3 =	vld [tilespmem:$0x1D0];
	_ =	sdelay $0x4  }
0x2d0: {  	v53 =	vshll.u32 v3, $0x1  }
0x2d1: {  	v3 =	vand.u32 $0x7, v3;
	v4 =	vand.u32 $0xFFFFFFF0, v53  }
0x2d2: {  	v3 =	vor.u32 v3, v4  }
0x2d3: {  	v4 =	vperm.xlane v3, v0;
	_ =	sdelay $0x1  }
0x2d4: {  	v3 =	vperm.xlane v3, v2;
	v4 =	vadd.s32 v1, v4;
	_ =	sdelay $0x1  }
0x2d5: {  	v3 =	vadd.s32 v1, v3;
	_ =	sdelay $0x1  }
0x2d6: {  	s7 =	simm.s32 $0x5400  }
0x2d7: {  	[tilespmem:s7], [sflag:$0x1] =	stream.indirect_vreg.gather [hbm4b:s1+s4], $0x80, v4, vm0, $0xb8;
	[tilespmem:$0x18400] =	vst v63  }
0x2d8: {  	s31 =	simm.s32 $0x5C00  }
0x2d9: {  	[tilespmem:s31], [sflag:$0x1] =	stream.indirect_vreg.gather [hbm4b:s1+s4], $0x80, v3, vm0, $0xb8;
	[tilespmem:$0x18400] =	vst v63  }
0x2da: {  	v3 =	vld [tilespmem:$0x1E0];
	_ =	sdelay $0x4  }
0x2db: {  	v54 =	vshll.u32 v3, $0x1  }
0x2dc: {  	v3 =	vand.u32 $0x7, v3;
	v4 =	vand.u32 $0xFFFFFFF0, v54  }
0x2dd: {  	v3 =	vor.u32 v3, v4  }
0x2de: {  	v4 =	vperm.xlane v3, v0;
	_ =	sdelay $0x1  }
0x2df: {  	v3 =	vperm.xlane v3, v2;
	v4 =	vadd.s32 v1, v4;
	_ =	sdelay $0x1  }
0x2e0: {  	v3 =	vadd.s32 v1, v3;
	_ =	sdelay $0x1  }
0x2e1: {  	s8 =	simm.s32 $0x6400  }
0x2e2: {  	[tilespmem:s8], [sflag:$0x1] =	stream.indirect_vreg.gather [hbm4b:s1+s4], $0x80, v4, vm0, $0xb8;
	[tilespmem:$0x18400] =	vst v63  }
0x2e3: {  	s11 =	simm.s32 $0x6C00  }
0x2e4: {  	[tilespmem:s11], [sflag:$0x1] =	stream.indirect_vreg.gather [hbm4b:s1+s4], $0x80, v3, vm0, $0xb8;
	[tilespmem:$0x18400] =	vst v63  }
0x2e5: {  	v3 =	vld [tilespmem:$0x1F0];
	_ =	sdelay $0x4  }
0x2e6: {  	v55 =	vshll.u32 v3, $0x1  }
0x2e7: {  	v3 =	vand.u32 $0x7, v3;
	v4 =	vand.u32 $0xFFFFFFF0, v55  }
0x2e8: {  	v3 =	vor.u32 v3, v4  }
0x2e9: {  	v4 =	vperm.xlane v3, v0;
	_ =	sdelay $0x1  }
0x2ea: {  	v3 =	vperm.xlane v3, v2;
	v4 =	vadd.s32 v1, v4;
	_ =	sdelay $0x1  }
0x2eb: {  	v3 =	vadd.s32 v1, v3;
	_ =	sdelay $0x1  }
0x2ec: {  	s10 =	simm.s32 $0x7400  }
0x2ed: {  	[tilespmem:s10], [sflag:$0x1] =	stream.indirect_vreg.gather [hbm4b:s1+s4], $0x80, v4, vm0, $0xb8;
	[tilespmem:$0x18400] =	vst v63  }
0x2ee: {  	s31 =	simm.s32 $0x7C00  }
0x2ef: {  	[tilespmem:s31], [sflag:$0x1] =	stream.indirect_vreg.gather [hbm4b:s1+s4], $0x80, v3, vm0, $0xb8;
	[tilespmem:$0x18400] =	vst v63  }
0x2f0: {  	v3 =	vld [tilespmem:$0x380];
	_ =	sdelay $0x4  }
0x2f1: {  	v56 =	vshll.u32 v3, $0x1  }
0x2f2: {  	v3 =	vand.u32 $0x7, v3;
	v4 =	vand.u32 $0xFFFFFFF0, v56  }
0x2f3: {  	v3 =	vor.u32 v3, v4  }
0x2f4: {  	v4 =	vperm.xlane v3, v0;
	_ =	sdelay $0x1  }
0x2f5: {  	v3 =	vperm.xlane v3, v2;
	v4 =	vadd.s32 v1, v4;
	_ =	sdelay $0x1  }
0x2f6: {  	v3 =	vadd.s32 v1, v3;
	_ =	sdelay $0x2  }
0x2f7: {  	[tilespmem:s25], [sflag:$0x2] =	stream.indirect_vreg.gather [hbm4b:s3+s4], $0x80, v4, vm0, $0xb8;
	[tilespmem:$0x18400] =	vst v63  }
0x2f8: {  	s2 =	simm.s32 $0x8C00  }
0x2f9: {  	[tilespmem:s2], [sflag:$0x2] =	stream.indirect_vreg.gather [hbm4b:s3+s4], $0x80, v3, vm0, $0xb8;
	[tilespmem:$0x18400] =	vst v63  }
0x2fa: {  	v3 =	vld [tilespmem:$0x390];
	_ =	sdelay $0x4  }
0x2fb: {  	v57 =	vshll.u32 v3, $0x1  }
0x2fc: {  	v3 =	vand.u32 $0x7, v3;
	v4 =	vand.u32 $0xFFFFFFF0, v57  }
0x2fd: {  	v3 =	vor.u32 v3, v4  }
0x2fe: {  	v4 =	vperm.xlane v3, v0;
	_ =	sdelay $0x1  }
0x2ff: {  	v3 =	vperm.xlane v3, v2;
	v4 =	vadd.s32 v1, v4;
	_ =	sdelay $0x1  }
0x300: {  	v3 =	vadd.s32 v1, v3;
	_ =	sdelay $0x1  }
0x301: {  	s12 =	simm.s32 $0x9400  }
0x302: {  	[tilespmem:s12], [sflag:$0x2] =	stream.indirect_vreg.gather [hbm4b:s3+s4], $0x80, v4, vm0, $0xb8;
	[tilespmem:$0x18400] =	vst v63  }
0x303: {  	s7 =	simm.s32 $0x9C00  }
0x304: {  	[tilespmem:s7], [sflag:$0x2] =	stream.indirect_vreg.gather [hbm4b:s3+s4], $0x80, v3, vm0, $0xb8;
	[tilespmem:$0x18400] =	vst v63  }
0x305: {  	v3 =	vld [tilespmem:$0x3A0];
	_ =	sdelay $0x4  }
0x306: {  	v58 =	vshll.u32 v3, $0x1  }
0x307: {  	v3 =	vand.u32 $0x7, v3;
	v4 =	vand.u32 $0xFFFFFFF0, v58  }
0x308: {  	v3 =	vor.u32 v3, v4  }
0x309: {  	v4 =	vperm.xlane v3, v0;
	_ =	sdelay $0x1  }
0x30a: {  	v3 =	vperm.xlane v3, v2;
	v4 =	vadd.s32 v1, v4;
	_ =	sdelay $0x1  }
0x30b: {  	v3 =	vadd.s32 v1, v3;
	_ =	sdelay $0x1  }
0x30c: {  	s30 =	simm.s32 $0xA400  }
0x30d: {  	[tilespmem:s30], [sflag:$0x2] =	stream.indirect_vreg.gather [hbm4b:s3+s4], $0x80, v4, vm0, $0xb8;
	[tilespmem:$0x18400] =	vst v63  }
0x30e: {  	s8 =	simm.s32 $0xAC00  }
0x30f: {  	[tilespmem:s8], [sflag:$0x2] =	stream.indirect_vreg.gather [hbm4b:s3+s4], $0x80, v3, vm0, $0xb8;
	[tilespmem:$0x18400] =	vst v63  }
0x310: {  	v3 =	vld [tilespmem:$0x3B0];
	_ =	sdelay $0x4  }
0x311: {  	v59 =	vshll.u32 v3, $0x1  }
0x312: {  	v3 =	vand.u32 $0x7, v3;
	v4 =	vand.u32 $0xFFFFFFF0, v59  }
0x313: {  	v3 =	vor.u32 v3, v4  }
0x314: {  	v4 =	vperm.xlane v3, v0;
	_ =	sdelay $0x1  }
0x315: {  	v3 =	vperm.xlane v3, v2;
	v4 =	vadd.s32 v1, v4;
	_ =	sdelay $0x1  }
0x316: {  	v3 =	vadd.s32 v1, v3;
	_ =	sdelay $0x1  }
0x317: {  	s10 =	simm.s32 $0xB400  }
0x318: {  	[tilespmem:s10], [sflag:$0x2] =	stream.indirect_vreg.gather [hbm4b:s3+s4], $0x80, v4, vm0, $0xb8;
	[tilespmem:$0x18400] =	vst v63  }
0x319: {  	s11 =	simm.s32 $0xBC00  }
0x31a: {  	[tilespmem:s11], [sflag:$0x2] =	stream.indirect_vreg.gather [hbm4b:s3+s4], $0x80, v3, vm0, $0xb8;
	[tilespmem:$0x18400] =	vst v63  }
0x31b: {  	v3 =	vld [tilespmem:$0x3C0];
	_ =	sdelay $0x4  }
0x31c: {  	v60 =	vshll.u32 v3, $0x1  }
0x31d: {  	v3 =	vand.u32 $0x7, v3;
	v4 =	vand.u32 $0xFFFFFFF0, v60  }
0x31e: {  	v3 =	vor.u32 v3, v4  }
0x31f: {  	v4 =	vperm.xlane v3, v0;
	_ =	sdelay $0x1  }
0x320: {  	v3 =	vperm.xlane v3, v2;
	v4 =	vadd.s32 v1, v4;
	_ =	sdelay $0x1  }
0x321: {  	v3 =	vadd.s32 v1, v3;
	_ =	sdelay $0x1  }
0x322: {  	s13 =	simm.s32 $0xC400  }
0x323: {  	[tilespmem:s13], [sflag:$0x2] =	stream.indirect_vreg.gather [hbm4b:s3+s4], $0x80, v4, vm0, $0xb8;
	[tilespmem:$0x18400] =	vst v63  }
0x324: {  	s12 =	simm.s32 $0xCC00  }
0x325: {  	[tilespmem:s12], [sflag:$0x2] =	stream.indirect_vreg.gather [hbm4b:s3+s4], $0x80, v3, vm0, $0xb8;
	[tilespmem:$0x18400] =	vst v63  }
0x326: {  	v3 =	vld [tilespmem:$0x3D0];
	_ =	sdelay $0x4  }
0x327: {  	v61 =	vshll.u32 v3, $0x1  }
0x328: {  	v3 =	vand.u32 $0x7, v3;
	v4 =	vand.u32 $0xFFFFFFF0, v61  }
0x329: {  	v3 =	vor.u32 v3, v4  }
0x32a: {  	v4 =	vperm.xlane v3, v0;
	_ =	sdelay $0x1  }
0x32b: {  	v3 =	vperm.xlane v3, v2;
	v4 =	vadd.s32 v1, v4;
	_ =	sdelay $0x1  }
0x32c: {  	v3 =	vadd.s32 v1, v3;
	_ =	sdelay $0x1  }
0x32d: {  	s14 =	simm.s32 $0xD400  }
0x32e: {  	[tilespmem:s14], [sflag:$0x2] =	stream.indirect_vreg.gather [hbm4b:s3+s4], $0x80, v4, vm0, $0xb8;
	[tilespmem:$0x18400] =	vst v63  }
0x32f: {  	s13 =	simm.s32 $0xDC00  }
0x330: {  	[tilespmem:s13], [sflag:$0x2] =	stream.indirect_vreg.gather [hbm4b:s3+s4], $0x80, v3, vm0, $0xb8;
	[tilespmem:$0x18400] =	vst v63  }
0x331: {  	v3 =	vld [tilespmem:$0x3E0];
	_ =	sdelay $0x4  }
0x332: {  	v62 =	vshll.u32 v3, $0x1  }
0x333: {  	v3 =	vand.u32 $0x7, v3;
	v4 =	vand.u32 $0xFFFFFFF0, v62  }
0x334: {  	v3 =	vor.u32 v3, v4  }
0x335: {  	v4 =	vperm.xlane v3, v0;
	_ =	sdelay $0x1  }
0x336: {  	v3 =	vperm.xlane v3, v2;
	v4 =	vadd.s32 v1, v4;
	_ =	sdelay $0x1  }
0x337: {  	v3 =	vadd.s32 v1, v3;
	_ =	sdelay $0x1  }
0x338: {  	s15 =	simm.s32 $0xE400  }
0x339: {  	[tilespmem:s15], [sflag:$0x2] =	stream.indirect_vreg.gather [hbm4b:s3+s4], $0x80, v4, vm0, $0xb8;
	[tilespmem:$0x18400] =	vst v63  }
0x33a: {  	s14 =	simm.s32 $0xEC00  }
0x33b: {  	[tilespmem:s14], [sflag:$0x2] =	stream.indirect_vreg.gather [hbm4b:s3+s4], $0x80, v3, vm0, $0xb8;
	[tilespmem:$0x18400] =	vst v63  }
0x33c: {  	v3 =	vld [tilespmem:$0x3F0];
	_ =	sdelay $0x4  }
0x33d: {  	v63 =	vshll.u32 v3, $0x1  }
0x33e: {  	v3 =	vand.u32 $0x7, v3;
	v4 =	vand.u32 $0xFFFFFFF0, v63  }
0x33f: {  	v3 =	vor.u32 v3, v4  }
0x340: {  	v4 =	vperm.xlane v3, v0;
	_ =	sdelay $0x1  }
0x341: {  	v3 =	vperm.xlane v3, v2;
	v4 =	vadd.s32 v1, v4;
	_ =	sdelay $0x1  }
0x342: {  	v3 =	vadd.s32 v1, v3;
	_ =	sdelay $0x1  }
0x343: {  	s16 =	simm.s32 $0xF400  }
0x344: {  	[tilespmem:s16], [sflag:$0x2] =	stream.indirect_vreg.gather [hbm4b:s3+s4], $0x80, v4, vm0, $0xb8;
	[tilespmem:$0x18400] =	vst v63  }
0x345: {  	s9 =	simm.s32 $0xFC00  }
0x346: {  	[tilespmem:s9], [sflag:$0x2] =	stream.indirect_vreg.gather [hbm4b:s3+s4], $0x80, v3, vm0, $0xb8;
	[tilespmem:$0x18400] =	vst v63  }
0x347: {  	s15 =	rddreg [dreg:$0x1b]  }
0x348: {  	[tilespmem:s18], [sflag:$0x3] =	stream.indirect.gather [hbm4b:s5+s17], $0x80, s15, s17, $0xb8;
	[tilespmem:$0x18400] =	vst v63  }
0x349: {  	s16 =	rddreg [dreg:$0x1c]  }
0x34a: {  	[tilespmem:s19], [sflag:$0x4] =	stream.indirect.gather [hbm4b:s5+s17], $0x80, s16, s17, $0xb8;
	[tilespmem:$0x18400] =	vst v63  }
0x34b: {  	_ =	swait.ge [sflag:s20], $0x8000  }
0x34c: {  	[sflag:s20] =	ssyncset.done $0x0  }
0x34d: {  	[sflag:s20] =	ssyncadd.s32 $0xFFFF8000  }
0x34e: {  	_ =	swait.ge [sflag:s21], $0x8000  }
0x34f: {  	[sflag:s21] =	ssyncset.done $0x0  }
0x350: {  	[sflag:s21] =	ssyncadd.s32 $0xFFFF8000  }
0x351: {  	_ =	swait.ge [sflag:s22], $0x4000  }
0x352: {  	[sflag:s22] =	ssyncset.done $0x0  }
0x353: {  	[sflag:s22] =	ssyncadd.s32 $0xFFFFC000  }
0x354: {  	_ =	swait.ge [sflag:s23], $0x4000  }
0x355: {  	[sflag:s23] =	ssyncset.done $0x0  }
0x356: {  	s26 =	rddreg [dreg:$0x14];
	[sflag:s23] =	ssyncadd.s32 $0xFFFFC000  }
0x357: {  	[hbm4b:s26+s4] =	stream.linear.scatter [tilespmem:s29], [sflag:$0x1], $0x8000, $0x38;
	[tilespmem:$0x18400] =	vst v63  }
0x358: {  	s28 =	rddreg [dreg:$0x15]  }
0x359: {  	[hbm4b:s28+s4] =	stream.linear.scatter [tilespmem:s25], [sflag:$0x2], $0x8000, $0x38;
	[tilespmem:$0x18400] =	vst v63  }
0x35a: {  	s30 =	rddreg [dreg:$0x16]  }
0x35b: {  	[hbm4b:s30+s4] =	stream.linear.scatter [tilespmem:s18], [sflag:$0x3], $0x4000, $0x38;
	[tilespmem:$0x18400] =	vst v63  }
0x35c: {  	s31 =	rddreg [dreg:$0x17]  }
0x35d: {  	[hbm4b:s31+s4] =	stream.linear.scatter [tilespmem:s19], [sflag:$0x4], $0x4000, $0x38;
	[tilespmem:$0x18400] =	vst v63  }
0x35e: {  	_ =	swait.ge [sflag:s20], $0x8000  }
0x35f: {  	[sflag:s20] =	ssyncset.done $0x0  }
0x360: {  	[sflag:s20] =	ssyncadd.s32 $0xFFFF8000  }
0x361: {  	_ =	swait.ge [sflag:s21], $0x8000  }
0x362: {  	[sflag:s21] =	ssyncset.done $0x0  }
0x363: {  	[sflag:s21] =	ssyncadd.s32 $0xFFFF8000  }
0x364: {  	p0 =	sne.s32 s6, $0x1;
	_ =	swait.ge [sflag:s22], $0x4000  }
.Ltmp0:
0x365: {  	[sflag:s22] =	ssyncset.done $0x0;
	(pc) =	sbr.rel @p0 .LBB2_1-.Ltmp0, $4  }
0x366: {  	[sflag:s22] =	ssyncadd.s32 $0xFFFFC000  }
0x367: {  	_ =	swait.ge [sflag:s23], $0x4000  }
0x368: {  	[sflag:s23] =	ssyncset.done $0x0  }
0x369: {  	s6 =	sadd.s32 $0xFFFFFFFF, s6;
	[sflag:s23] =	ssyncadd.s32 $0xFFFFC000  }
0x36a: {  	_ =	sfence.sel $0x180000  }
0x36b: {  	[bflag:$0x0] =	sbarrier.arrive $0xFFFF  }
0x36c: {  	_ =	strace $0x90000047  }
0x36d: {  	s0 =	stileid.u32;
	[bflag:$0x2] =	sbarrier.arrive $0xFFFF  }
0x36e: {  	p0 =	sne.s32 s0, $0x0;
	s0 =	rddreg [dreg:$0x5]  }
0x36f: {  	s0 =	sadd.s32 @!p0 $0x100000, s0  }
0x370: {  	[sflag:s0] =	ssyncadd.tile.s32 @!p0 $0x1;
	_ =	shalt  }
.Lfunc_end2:
_tile_overlayer_lowered:
.L_overlay_start_2:
0x371: {  	(tag) =	ssettag $0x2  }
0x372: {  	s0 =	rddreg [dreg:$0x0];
	s2 =	stileid.u32  }
0x373: {  	s1 =	rddreg [dreg:$0x1];
	p0 =	sne.s32 s2, $0x0  }
0x374: {  	s3 =	rddreg [dreg:$0x2];
	[bflag:$0x3] =	sbarrier.arrive $0xFFFF;
	s2 =	simm.s32 @!p0 $0x1C05  }
0x375: {  	[timem:s3], [sflag:s2] =	dma.local @!p0 [hbm:s0], s1  }
0x376: {  	s0 =	simm.s32 @!p0 $0x5  }
0x377: {  	_ =	swait.ge @!p0 [sflag:s0], s1  }
0x378: {  	s1 =	ssub.s32 @!p0 $0x0, s1;
	[sflag:s0] =	ssyncset.done @!p0 $0x0  }
0x379: {  	[sflag:s0] =	ssyncadd.s32 @!p0 s1  }
0x37a: {  	[bflag:$0x3] =	sbarrier.arrive $0xFFFF  }
0x37b: {  	_ =	shalt  }

</sc_bundles>
